<compile_context>
chip_gen: v7x
topology: tpu7x:2x2x1
jax: 0.10.2.dev20260603
libtpu: 0.0.44.dev20260713+nightly
codegen_flags: <defaults>
</compile_context>

<pallas_src>
import functools

import jax
import jax.numpy as jnp
from jax import lax
from jax.experimental import pallas as pl
from jax.experimental.pallas import tpu as pltpu
from jax.experimental.pallas import tpu_sc as plsc

N_NODES = 100000
DIM = 128
NUM_SEG = 512
LANES = 16

ROWS = 80
NBLK = N_NODES // ROWS
NWORK = 32
BLK_PER_W = NBLK // NWORK
EXTRA_BLKS = NBLK - BLK_PER_W * NWORK
MAXB = BLK_PER_W + 1
ACC_ROWS = 1152
SL = ACC_ROWS // 16
CNT_W = 128


def _pool_body(out_hbm, z_hbm, batch_hbm, zsum_hbm, ones_hbm,
               sums_hbm, cnts_hbm,
               rows_a, rows_b, zbuf, bbuf, idx_a, idx_b, ones_v,
               acc_sh, cnt_sh, sem_a, sem_b, sr_a, sr_b, so_a, so_b):
  c = lax.axis_index("c")
  s = lax.axis_index("s")
  wid = s * 2 + c

  pltpu.sync_copy(zsum_hbm.at[pl.ds(s * SL, SL), :], acc_sh.at[pl.ds(s * SL, SL), :])
  pltpu.sync_copy(zsum_hbm.at[pl.ds(s * SL, SL), :], cnt_sh.at[pl.ds(s * SL, SL), :])
  pltpu.sync_copy(ones_hbm, ones_v)
  plsc.subcore_barrier()

  nblk = BLK_PER_W + jnp.where(wid < EXTRA_BLKS, 1, 0)
  blk0 = wid * BLK_PER_W + jnp.minimum(wid, EXTRA_BLKS)
  row0 = blk0 * ROWS

  base_rows = BLK_PER_W * ROWS
  pltpu.sync_copy(z_hbm.at[pl.ds(row0, base_rows)], zbuf.at[pl.ds(0, base_rows)])
  pltpu.sync_copy(batch_hbm.at[pl.ds(row0, base_rows)], bbuf.at[pl.ds(0, base_rows)])

  @pl.when(nblk == MAXB)
  def _():
    pltpu.sync_copy(z_hbm.at[pl.ds(row0 + base_rows, ROWS)],
                    zbuf.at[pl.ds(base_rows, ROWS)])
    pltpu.sync_copy(batch_hbm.at[pl.ds(row0 + base_rows, ROWS)],
                    bbuf.at[pl.ds(base_rows, ROWS)])

  pltpu.async_copy(out_hbm.at[pl.ds(row0, ROWS), :], rows_a, sem_a)

  def process(g, cur_buf, cur_gsem, cur_idx, cur_sr, cur_so,
              oth_buf, oth_gsem, oth_idx, oth_sr, oth_so):
    grow = row0 + g * ROWS
    pltpu.make_async_copy(out_hbm.at[pl.ds(grow, ROWS), :], cur_buf, cur_gsem).wait()
    for i in range(ROWS // LANES):
      off = g * ROWS + i * LANES
      bv = bbuf[pl.ds(off, LANES)]
      zv = zbuf[pl.ds(off, LANES)]
      idx = bv + jnp.where(zv == 100, NUM_SEG, 0).astype(jnp.int32)
      cur_idx[pl.ds(i * LANES, LANES)] = idx
    pltpu.async_copy(cur_buf, acc_sh.at[cur_idx], cur_sr, add=True)
    pltpu.async_copy(ones_v, cnt_sh.at[cur_idx], cur_so, add=True)

    @pl.when(g >= 1)
    def _():
      pltpu.make_async_copy(oth_buf, acc_sh.at[oth_idx], oth_sr).wait()
      pltpu.make_async_copy(ones_v, cnt_sh.at[oth_idx], oth_so).wait()

    @pl.when(g + 1 < nblk)
    def _():
      pltpu.async_copy(out_hbm.at[pl.ds(grow + ROWS, ROWS), :], oth_buf, oth_gsem)

  def step(g, carry):
    @pl.when(g % 2 == 0)
    def _():
      process(g, rows_a, sem_a, idx_a, sr_a, so_a,
              rows_b, sem_b, idx_b, sr_b, so_b)

    @pl.when(g % 2 == 1)
    def _():
      process(g, rows_b, sem_b, idx_b, sr_b, so_b,
              rows_a, sem_a, idx_a, sr_a, so_a)

    return carry

  lax.fori_loop(0, nblk, step, 0)

  @pl.when((nblk - 1) % 2 == 0)
  def _():
    pltpu.make_async_copy(rows_a, acc_sh.at[idx_a], sr_a).wait()
    pltpu.make_async_copy(ones_v, cnt_sh.at[idx_a], so_a).wait()

  @pl.when((nblk - 1) % 2 == 1)
  def _():
    pltpu.make_async_copy(rows_b, acc_sh.at[idx_b], sr_b).wait()
    pltpu.make_async_copy(ones_v, cnt_sh.at[idx_b], so_b).wait()

  plsc.subcore_barrier()
  pltpu.sync_copy(acc_sh.at[pl.ds(s * SL, SL), :], sums_hbm.at[c, pl.ds(s * SL, SL), :])
  pltpu.sync_copy(cnt_sh.at[pl.ds(s * SL, SL), :], cnts_hbm.at[c, pl.ds(s * SL, SL), :])


@jax.jit
def _pool(out, z, batch):
  zsum = jnp.zeros((ACC_ROWS, DIM), jnp.float32)
  ones = jnp.ones((ROWS, CNT_W), jnp.float32)
  mesh = plsc.VectorSubcoreMesh(core_axis_name="c", subcore_axis_name="s")
  f = pl.kernel(
      _pool_body,
      out_type=(
          jax.ShapeDtypeStruct((2, ACC_ROWS, DIM), jnp.float32),
          jax.ShapeDtypeStruct((2, ACC_ROWS, CNT_W), jnp.float32),
      ),
      mesh=mesh,
      scratch_types=[
          pltpu.VMEM((ROWS, DIM), jnp.float32),
          pltpu.VMEM((ROWS, DIM), jnp.float32),
          pltpu.VMEM((MAXB * ROWS,), jnp.int32),
          pltpu.VMEM((MAXB * ROWS,), jnp.int32),
          pltpu.VMEM((ROWS,), jnp.int32),
          pltpu.VMEM((ROWS,), jnp.int32),
          pltpu.VMEM((ROWS, CNT_W), jnp.float32),
          pltpu.VMEM_SHARED((ACC_ROWS, DIM), jnp.float32),
          pltpu.VMEM_SHARED((ACC_ROWS, CNT_W), jnp.float32),
          pltpu.SemaphoreType.DMA,
          pltpu.SemaphoreType.DMA,
          pltpu.SemaphoreType.DMA,
          pltpu.SemaphoreType.DMA,
          pltpu.SemaphoreType.DMA,
          pltpu.SemaphoreType.DMA,
      ],
  )
  return f(out, z, batch, zsum, ones)


def _mlp_body(sums_ref, cnts_ref, w1_ref, b1_ref, w2_ref, o_ref):
  ssum = sums_ref[0] + sums_ref[1]
  cnt = cnts_ref[0, :, 0:1] + cnts_ref[1, :, 0:1]
  real_s = ssum[0:NUM_SEG]
  virt_s = ssum[NUM_SEG:2 * NUM_SEG]
  cr = cnt[0:NUM_SEG]
  cv = cnt[NUM_SEG:2 * NUM_SEG]
  real_m = jnp.where(cr > 0, real_s / jnp.maximum(cr, 1.0), 0.0)
  virt_m = jnp.where(cv > 0, virt_s / jnp.maximum(cv, 1.0), 0.0)
  w1 = w1_ref[...]
  b1 = b1_ref[...]
  w2 = w2_ref[...]
  h_r = jnp.tanh(jnp.dot(real_m, w1, precision=lax.Precision.HIGHEST) + b1)
  h_v = jnp.tanh(jnp.dot(virt_m, w1, precision=lax.Precision.HIGHEST) + b1)
  s_r = jnp.sum(h_r * w2, axis=1, keepdims=True)
  s_v = jnp.sum(h_v * w2, axis=1, keepdims=True)
  m = jnp.maximum(s_r, s_v)
  er = jnp.exp(s_r - m)
  ev = jnp.exp(s_v - m)
  wr = er / (er + ev)
  o_ref[...] = wr * real_m + (1.0 - wr) * virt_m


@jax.jit
def kernel(out, z, batch, W1, b1, W2):
  sums, cnts = _pool(out, z, batch)
  b1r = b1.reshape(1, DIM)
  w2r = W2.reshape(DIM, 1).T
  return pl.pallas_call(
      _mlp_body,
      out_shape=jax.ShapeDtypeStruct((NUM_SEG, DIM), jnp.float32),
  )(sums, cnts, W1, b1r, w2r)

# --- scband reference (transcript-rebuilt; emitter-appended) ---
"""Pipeline reference for scband-real-virtual-attention-45535243272772 (READ-ONLY COPY).

The authoritative reference and input builder live on the scoring server;
editing this copy changes nothing except your own understanding.
"""

import jax, jax.numpy as jnp
import numpy as np

N_NODES = 100000
EMBED_DIM = 128
ATTN_SIZE = 128
NUM_GRAPHS = 512


def setup_inputs(seed: int = 0) -> dict:
    key = jax.random.key(seed)
    k1, k2, k3, k4, k5, k6 = jax.random.split(key, 6)
    out = jax.random.normal(k1, (N_NODES, EMBED_DIM), dtype=jnp.float32)
    z = jax.random.randint(k2, (N_NODES,), 0, 200, dtype=jnp.int32)
    batch = jnp.sort(jax.random.randint(k3, (N_NODES,), 0, NUM_GRAPHS, dtype=jnp.int32))
    # MetaPathImportance params: Linear(embed_dim, attn_size) -> tanh -> Linear(attn_size, 1, bias=False)
    W1 = jax.random.normal(k4, (EMBED_DIM, ATTN_SIZE), dtype=jnp.float32) * (1.0 / np.sqrt(EMBED_DIM))
    b1 = jnp.zeros((ATTN_SIZE,), dtype=jnp.float32)
    W2 = jax.random.normal(k5, (ATTN_SIZE, 1), dtype=jnp.float32) * (1.0 / np.sqrt(ATTN_SIZE))
    return {"out": out, "z": z, "batch": batch, "W1": W1, "b1": b1, "W2": W2}


def _masked_mean_pool(x, batch, mask, num_segments):
    # global_mean_pool restricted to nodes where mask is True; empty segments -> 0 (torch_geometric scatter-mean semantics)
    w = mask.astype(x.dtype)
    s = jax.ops.segment_sum(x * w[:, None], batch, num_segments=num_segments)
    c = jax.ops.segment_sum(w, batch, num_segments=num_segments)
    return jnp.where(c[:, None] > 0, s / jnp.maximum(c[:, None], 1.0), 0.0)


def reference(out, z, batch, W1, b1, W2):
    real_mask = z != 100
    virtual_mask = z == 100
    out_real = _masked_mean_pool(out, batch, real_mask, NUM_GRAPHS)
    out_virtual = _masked_mean_pool(out, batch, virtual_mask, NUM_GRAPHS)
    stacked = jnp.stack((out_real, out_virtual), axis=1)  # [B, 2, D]
    # MetaPathImportance: softmax over the (real, virtual) axis
    h = jnp.tanh(stacked @ W1 + b1)  # [B, 2, attn]
    scores = jax.nn.softmax(h @ W2, axis=1)  # [B, 2, 1]
    weighted_res = jnp.sum(stacked * scores, axis=1)  # [B, D]
    return weighted_res

if __name__ == "__main__":
    import jax
    _d = setup_inputs()
    print(jax.jit(kernel)(*tuple(_d.values())))

</pallas_src>

<mosaic_0001>
#map = affine_map<(d0, d1) -> (0, 0)>
#map1 = affine_map<(d0, d1) -> (0)>
#map2 = affine_map<(d0, d1) -> (0, 0, 0)>
module attributes {stable_mosaic.version = 14 : i64} {
  func.func @_pool_body(%arg0: i32, %arg1: i32, %arg2: memref<100000x128xf32, #tpu.memory_space<hbm>>, %arg3: memref<100000xi32, #tpu.memory_space<hbm>>, %arg4: memref<100000xi32, #tpu.memory_space<hbm>>, %arg5: memref<1152x128xf32, #tpu.memory_space<hbm>>, %arg6: memref<80x128xf32, #tpu.memory_space<hbm>>, %arg7: memref<2x1152x128xf32, #tpu.memory_space<hbm>>, %arg8: memref<2x1152x128xf32, #tpu.memory_space<hbm>>, %arg9: memref<80x128xf32, #tpu.memory_space<vmem>>, %arg10: memref<80x128xf32, #tpu.memory_space<vmem>>, %arg11: memref<3200xi32, #tpu.memory_space<vmem>>, %arg12: memref<3200xi32, #tpu.memory_space<vmem>>, %arg13: memref<80xi32, #tpu.memory_space<vmem>>, %arg14: memref<80xi32, #tpu.memory_space<vmem>>, %arg15: memref<80x128xf32, #tpu.memory_space<vmem>>, %arg16: memref<1152x128xf32, #tpu.memory_space<vmem_shared>>, %arg17: memref<1152x128xf32, #tpu.memory_space<vmem_shared>>, %arg18: memref<!tpu.dma_semaphore, #tpu.memory_space<semaphore_mem>>, %arg19: memref<!tpu.dma_semaphore, #tpu.memory_space<semaphore_mem>>, %arg20: memref<!tpu.dma_semaphore, #tpu.memory_space<semaphore_mem>>, %arg21: memref<!tpu.dma_semaphore, #tpu.memory_space<semaphore_mem>>, %arg22: memref<!tpu.dma_semaphore, #tpu.memory_space<semaphore_mem>>, %arg23: memref<!tpu.dma_semaphore, #tpu.memory_space<semaphore_mem>>) attributes {dimension_semantics = [#tpu.dimension_semantics<core_parallel>, #tpu.dimension_semantics<subcore_parallel>], iteration_bounds = array<i64: 2, 16>, scalar_prefetch = 0 : i64, scratch_operands = 15 : i64, tpu.core_type = #tpu.core_type<sc_vector_subcore>, window_params = [{transform_indices = #map}, {transform_indices = #map1}, {transform_indices = #map1}, {transform_indices = #map}, {transform_indices = #map}, {transform_indices = #map2}, {transform_indices = #map2}]} {
    %mul3A = arith.constant 2 : i32
    %mul3A_0 = arith.muli %arg1, %mul3A : i32
    %add3A = arith.addi %mul3A_0, %arg0 : i32
    %mul3A_1 = arith.constant 72 : i32
    %mul3A_2 = arith.muli %arg1, %mul3A_1 : i32
    %mul3A_3 = arith.constant 72 : i32
    %mul3A_4 = arith.muli %arg1, %mul3A_3 : i32
    "tpu.region"() ({
      %run_scoped3A = tpu.sem_alloc : memref<!tpu.dma_semaphore, #tpu.memory_space<semaphore_mem>>
      %dma_start3A_84 = arith.constant 0 : i32
      %dma_start3A_85 = tpu.memref_slice %arg16[%mul3A_4, %dma_start3A_84] : memref<1152x128xf32, #tpu.memory_space<vmem_shared>> -> memref<72x128xf32, #tpu.memory_space<vmem_shared>>
      %dma_start3A_86 = arith.constant 0 : i32
      %dma_start3A_87 = tpu.memref_slice %arg5[%mul3A_2, %dma_start3A_86] : memref<1152x128xf32, #tpu.memory_space<hbm>> -> memref<72x128xf32, #tpu.memory_space<hbm>>
      tpu.enqueue_dma source(%dma_start3A_87 : memref<72x128xf32, #tpu.memory_space<hbm>>) target(%dma_start3A_85 : memref<72x128xf32, #tpu.memory_space<vmem_shared>>) target_semaphore(%run_scoped3A : memref<!tpu.dma_semaphore, #tpu.memory_space<semaphore_mem>>)
      %dma_wait3A = arith.constant 0 : i32
      %dma_wait3A_88 = tpu.memref_slice %arg16[%mul3A_4, %dma_wait3A] : memref<1152x128xf32, #tpu.memory_space<vmem_shared>> -> memref<72x128xf32, #tpu.memory_space<vmem_shared>>
      %dma_wait3A_89 = arith.constant 0 : i32
      %dma_wait3A_90 = tpu.memref_slice %arg5[%mul3A_2, %dma_wait3A_89] : memref<1152x128xf32, #tpu.memory_space<hbm>> -> memref<72x128xf32, #tpu.memory_space<hbm>>
      tpu.wait_dma2 semaphore(%run_scoped3A : memref<!tpu.dma_semaphore, #tpu.memory_space<semaphore_mem>>) src(%dma_wait3A_90 : memref<72x128xf32, #tpu.memory_space<hbm>>) dst(%dma_wait3A_88 : memref<72x128xf32, #tpu.memory_space<vmem_shared>>)
      tpu.yield
    }) : () -> ()
    %mul3A_5 = arith.constant 72 : i32
    %mul3A_6 = arith.muli %arg1, %mul3A_5 : i32
    %mul3A_7 = arith.constant 72 : i32
    %mul3A_8 = arith.muli %arg1, %mul3A_7 : i32
    "tpu.region"() ({
      %run_scoped3A = tpu.sem_alloc : memref<!tpu.dma_semaphore, #tpu.memory_space<semaphore_mem>>
      %dma_start3A_84 = arith.constant 0 : i32
      %dma_start3A_85 = tpu.memref_slice %arg17[%mul3A_8, %dma_start3A_84] : memref<1152x128xf32, #tpu.memory_space<vmem_shared>> -> memref<72x128xf32, #tpu.memory_space<vmem_shared>>
      %dma_start3A_86 = arith.constant 0 : i32
      %dma_start3A_87 = tpu.memref_slice %arg5[%mul3A_6, %dma_start3A_86] : memref<1152x128xf32, #tpu.memory_space<hbm>> -> memref<72x128xf32, #tpu.memory_space<hbm>>
      tpu.enqueue_dma source(%dma_start3A_87 : memref<72x128xf32, #tpu.memory_space<hbm>>) target(%dma_start3A_85 : memref<72x128xf32, #tpu.memory_space<vmem_shared>>) target_semaphore(%run_scoped3A : memref<!tpu.dma_semaphore, #tpu.memory_space<semaphore_mem>>)
      %dma_wait3A = arith.constant 0 : i32
      %dma_wait3A_88 = tpu.memref_slice %arg17[%mul3A_8, %dma_wait3A] : memref<1152x128xf32, #tpu.memory_space<vmem_shared>> -> memref<72x128xf32, #tpu.memory_space<vmem_shared>>
      %dma_wait3A_89 = arith.constant 0 : i32
      %dma_wait3A_90 = tpu.memref_slice %arg5[%mul3A_6, %dma_wait3A_89] : memref<1152x128xf32, #tpu.memory_space<hbm>> -> memref<72x128xf32, #tpu.memory_space<hbm>>
      tpu.wait_dma2 semaphore(%run_scoped3A : memref<!tpu.dma_semaphore, #tpu.memory_space<semaphore_mem>>) src(%dma_wait3A_90 : memref<72x128xf32, #tpu.memory_space<hbm>>) dst(%dma_wait3A_88 : memref<72x128xf32, #tpu.memory_space<vmem_shared>>)
      tpu.yield
    }) : () -> ()
    "tpu.region"() ({
      %run_scoped3A = tpu.sem_alloc : memref<!tpu.dma_semaphore, #tpu.memory_space<semaphore_mem>>
      tpu.enqueue_dma source(%arg6 : memref<80x128xf32, #tpu.memory_space<hbm>>) target(%arg15 : memref<80x128xf32, #tpu.memory_space<vmem>>) target_semaphore(%run_scoped3A : memref<!tpu.dma_semaphore, #tpu.memory_space<semaphore_mem>>)
      tpu.wait_dma2 semaphore(%run_scoped3A : memref<!tpu.dma_semaphore, #tpu.memory_space<semaphore_mem>>) src(%arg6 : memref<80x128xf32, #tpu.memory_space<hbm>>) dst(%arg15 : memref<80x128xf32, #tpu.memory_space<vmem>>)
      tpu.yield
    }) : () -> ()
    %barrier3A = arith.constant 0 : index
    tpu.barrier barrier_id(%barrier3A)
    %lt3A = arith.constant 2 : i32
    %lt3A_9 = arith.cmpi slt, %add3A, %lt3A : i32
    %jit3A = arith.constant 1 : i32
    %jit3A_10 = arith.constant 0 : i32
    %select_n3A = arith.select %lt3A_9, %jit3A, %jit3A_10 : i32
    %add3A_11 = arith.constant 39 : i32
    %add3A_12 = arith.addi %add3A_11, %select_n3A : i32
    %mul3A_13 = arith.constant 39 : i32
    %mul3A_14 = arith.muli %add3A, %mul3A_13 : i32
    %min3A = arith.constant 2 : i32
    %min3A_15 = arith.minsi %add3A, %min3A : i32
    %add3A_16 = arith.addi %mul3A_14, %min3A_15 : i32
    %mul3A_17 = arith.constant 80 : i32
    %mul3A_18 = arith.muli %add3A_16, %mul3A_17 : i32
    "tpu.region"() ({
      %run_scoped3A = tpu.sem_alloc : memref<!tpu.dma_semaphore, #tpu.memory_space<semaphore_mem>>
      %dma_start3A_84 = arith.constant 0 : i32
      %dma_start3A_85 = tpu.memref_slice %arg11[%dma_start3A_84] : memref<3200xi32, #tpu.memory_space<vmem>> -> memref<3120xi32, #tpu.memory_space<vmem>>
      %dma_start3A_86 = tpu.memref_slice %arg3[%mul3A_18] : memref<100000xi32, #tpu.memory_space<hbm>> -> memref<3120xi32, #tpu.memory_space<hbm>>
      %dma_start3A_87 = arith.constant 0 : i32
      %dma_start3A_88 = tpu.memref_slice %arg11[%dma_start3A_87] : memref<3200xi32, #tpu.memory_space<vmem>> -> memref<3120xi32, #tpu.memory_space<vmem>>
      %dma_start3A_89 = tpu.memref_slice %arg3[%mul3A_18] : memref<100000xi32, #tpu.memory_space<hbm>> -> memref<3120xi32, #tpu.memory_space<hbm>>
      tpu.enqueue_dma source(%dma_start3A_89 : memref<3120xi32, #tpu.memory_space<hbm>>) target(%dma_start3A_88 : memref<3120xi32, #tpu.memory_space<vmem>>) target_semaphore(%run_scoped3A : memref<!tpu.dma_semaphore, #tpu.memory_space<semaphore_mem>>)
      %dma_wait3A = arith.constant 0 : i32
      %dma_wait3A_90 = tpu.memref_slice %arg11[%dma_wait3A] : memref<3200xi32, #tpu.memory_space<vmem>> -> memref<3120xi32, #tpu.memory_space<vmem>>
      %dma_wait3A_91 = tpu.memref_slice %arg3[%mul3A_18] : memref<100000xi32, #tpu.memory_space<hbm>> -> memref<3120xi32, #tpu.memory_space<hbm>>
      %dma_wait3A_92 = arith.constant 0 : i32
      %dma_wait3A_93 = tpu.memref_slice %arg11[%dma_wait3A_92] : memref<3200xi32, #tpu.memory_space<vmem>> -> memref<3120xi32, #tpu.memory_space<vmem>>
      %dma_wait3A_94 = tpu.memref_slice %arg3[%mul3A_18] : memref<100000xi32, #tpu.memory_space<hbm>> -> memref<3120xi32, #tpu.memory_space<hbm>>
      tpu.wait_dma2 semaphore(%run_scoped3A : memref<!tpu.dma_semaphore, #tpu.memory_space<semaphore_mem>>) src(%dma_wait3A_94 : memref<3120xi32, #tpu.memory_space<hbm>>) dst(%dma_wait3A_93 : memref<3120xi32, #tpu.memory_space<vmem>>)
      tpu.yield
    }) : () -> ()
    "tpu.region"() ({
      %run_scoped3A = tpu.sem_alloc : memref<!tpu.dma_semaphore, #tpu.memory_space<semaphore_mem>>
      %dma_start3A_84 = arith.constant 0 : i32
      %dma_start3A_85 = tpu.memref_slice %arg12[%dma_start3A_84] : memref<3200xi32, #tpu.memory_space<vmem>> -> memref<3120xi32, #tpu.memory_space<vmem>>
      %dma_start3A_86 = tpu.memref_slice %arg4[%mul3A_18] : memref<100000xi32, #tpu.memory_space<hbm>> -> memref<3120xi32, #tpu.memory_space<hbm>>
      %dma_start3A_87 = arith.constant 0 : i32
      %dma_start3A_88 = tpu.memref_slice %arg12[%dma_start3A_87] : memref<3200xi32, #tpu.memory_space<vmem>> -> memref<3120xi32, #tpu.memory_space<vmem>>
      %dma_start3A_89 = tpu.memref_slice %arg4[%mul3A_18] : memref<100000xi32, #tpu.memory_space<hbm>> -> memref<3120xi32, #tpu.memory_space<hbm>>
      tpu.enqueue_dma source(%dma_start3A_89 : memref<3120xi32, #tpu.memory_space<hbm>>) target(%dma_start3A_88 : memref<3120xi32, #tpu.memory_space<vmem>>) target_semaphore(%run_scoped3A : memref<!tpu.dma_semaphore, #tpu.memory_space<semaphore_mem>>)
      %dma_wait3A = arith.constant 0 : i32
      %dma_wait3A_90 = tpu.memref_slice %arg12[%dma_wait3A] : memref<3200xi32, #tpu.memory_space<vmem>> -> memref<3120xi32, #tpu.memory_space<vmem>>
      %dma_wait3A_91 = tpu.memref_slice %arg4[%mul3A_18] : memref<100000xi32, #tpu.memory_space<hbm>> -> memref<3120xi32, #tpu.memory_space<hbm>>
      %dma_wait3A_92 = arith.constant 0 : i32
      %dma_wait3A_93 = tpu.memref_slice %arg12[%dma_wait3A_92] : memref<3200xi32, #tpu.memory_space<vmem>> -> memref<3120xi32, #tpu.memory_space<vmem>>
      %dma_wait3A_94 = tpu.memref_slice %arg4[%mul3A_18] : memref<100000xi32, #tpu.memory_space<hbm>> -> memref<3120xi32, #tpu.memory_space<hbm>>
      tpu.wait_dma2 semaphore(%run_scoped3A : memref<!tpu.dma_semaphore, #tpu.memory_space<semaphore_mem>>) src(%dma_wait3A_94 : memref<3120xi32, #tpu.memory_space<hbm>>) dst(%dma_wait3A_93 : memref<3120xi32, #tpu.memory_space<vmem>>)
      tpu.yield
    }) : () -> ()
    %eq3A = arith.constant 40 : i32
    %eq3A_19 = arith.cmpi eq, %add3A_12, %eq3A : i32
    %convert_element_type3A = arith.extui %eq3A_19 : i1 to i32
    %cond3A = arith.constant 0 : i32
    %cond3A_20 = arith.cmpi ne, %convert_element_type3A, %cond3A : i32
    scf.if %cond3A_20 {
      %add3A_84 = arith.constant 3120 : i32
      %add3A_85 = arith.addi %mul3A_18, %add3A_84 : i32
      "tpu.region"() ({
        %run_scoped3A = tpu.sem_alloc : memref<!tpu.dma_semaphore, #tpu.memory_space<semaphore_mem>>
        %dma_start3A_88 = arith.constant 3120 : i32
        %dma_start3A_89 = tpu.memref_slice %arg11[%dma_start3A_88] : memref<3200xi32, #tpu.memory_space<vmem>> -> memref<80xi32, #tpu.memory_space<vmem>>
        %dma_start3A_90 = tpu.memref_slice %arg3[%add3A_85] : memref<100000xi32, #tpu.memory_space<hbm>> -> memref<80xi32, #tpu.memory_space<hbm>>
        %dma_start3A_91 = arith.constant 3120 : i32
        %dma_start3A_92 = tpu.memref_slice %arg11[%dma_start3A_91] : memref<3200xi32, #tpu.memory_space<vmem>> -> memref<80xi32, #tpu.memory_space<vmem>>
        %dma_start3A_93 = tpu.memref_slice %arg3[%add3A_85] : memref<100000xi32, #tpu.memory_space<hbm>> -> memref<80xi32, #tpu.memory_space<hbm>>
        tpu.enqueue_dma source(%dma_start3A_93 : memref<80xi32, #tpu.memory_space<hbm>>) target(%dma_start3A_92 : memref<80xi32, #tpu.memory_space<vmem>>) target_semaphore(%run_scoped3A : memref<!tpu.dma_semaphore, #tpu.memory_space<semaphore_mem>>)
        %dma_wait3A = arith.constant 3120 : i32
        %dma_wait3A_94 = tpu.memref_slice %arg11[%dma_wait3A] : memref<3200xi32, #tpu.memory_space<vmem>> -> memref<80xi32, #tpu.memory_space<vmem>>
        %dma_wait3A_95 = tpu.memref_slice %arg3[%add3A_85] : memref<100000xi32, #tpu.memory_space<hbm>> -> memref<80xi32, #tpu.memory_space<hbm>>
        %dma_wait3A_96 = arith.constant 3120 : i32
        %dma_wait3A_97 = tpu.memref_slice %arg11[%dma_wait3A_96] : memref<3200xi32, #tpu.memory_space<vmem>> -> memref<80xi32, #tpu.memory_space<vmem>>
        %dma_wait3A_98 = tpu.memref_slice %arg3[%add3A_85] : memref<100000xi32, #tpu.memory_space<hbm>> -> memref<80xi32, #tpu.memory_space<hbm>>
        tpu.wait_dma2 semaphore(%run_scoped3A : memref<!tpu.dma_semaphore, #tpu.memory_space<semaphore_mem>>) src(%dma_wait3A_98 : memref<80xi32, #tpu.memory_space<hbm>>) dst(%dma_wait3A_97 : memref<80xi32, #tpu.memory_space<vmem>>)
        tpu.yield
      }) : () -> ()
      %add3A_86 = arith.constant 3120 : i32
      %add3A_87 = arith.addi %mul3A_18, %add3A_86 : i32
      "tpu.region"() ({
        %run_scoped3A = tpu.sem_alloc : memref<!tpu.dma_semaphore, #tpu.memory_space<semaphore_mem>>
        %dma_start3A_88 = arith.constant 3120 : i32
        %dma_start3A_89 = tpu.memref_slice %arg12[%dma_start3A_88] : memref<3200xi32, #tpu.memory_space<vmem>> -> memref<80xi32, #tpu.memory_space<vmem>>
        %dma_start3A_90 = tpu.memref_slice %arg4[%add3A_87] : memref<100000xi32, #tpu.memory_space<hbm>> -> memref<80xi32, #tpu.memory_space<hbm>>
        %dma_start3A_91 = arith.constant 3120 : i32
        %dma_start3A_92 = tpu.memref_slice %arg12[%dma_start3A_91] : memref<3200xi32, #tpu.memory_space<vmem>> -> memref<80xi32, #tpu.memory_space<vmem>>
        %dma_start3A_93 = tpu.memref_slice %arg4[%add3A_87] : memref<100000xi32, #tpu.memory_space<hbm>> -> memref<80xi32, #tpu.memory_space<hbm>>
        tpu.enqueue_dma source(%dma_start3A_93 : memref<80xi32, #tpu.memory_space<hbm>>) target(%dma_start3A_92 : memref<80xi32, #tpu.memory_space<vmem>>) target_semaphore(%run_scoped3A : memref<!tpu.dma_semaphore, #tpu.memory_space<semaphore_mem>>)
        %dma_wait3A = arith.constant 3120 : i32
        %dma_wait3A_94 = tpu.memref_slice %arg12[%dma_wait3A] : memref<3200xi32, #tpu.memory_space<vmem>> -> memref<80xi32, #tpu.memory_space<vmem>>
        %dma_wait3A_95 = tpu.memref_slice %arg4[%add3A_87] : memref<100000xi32, #tpu.memory_space<hbm>> -> memref<80xi32, #tpu.memory_space<hbm>>
        %dma_wait3A_96 = arith.constant 3120 : i32
        %dma_wait3A_97 = tpu.memref_slice %arg12[%dma_wait3A_96] : memref<3200xi32, #tpu.memory_space<vmem>> -> memref<80xi32, #tpu.memory_space<vmem>>
        %dma_wait3A_98 = tpu.memref_slice %arg4[%add3A_87] : memref<100000xi32, #tpu.memory_space<hbm>> -> memref<80xi32, #tpu.memory_space<hbm>>
        tpu.wait_dma2 semaphore(%run_scoped3A : memref<!tpu.dma_semaphore, #tpu.memory_space<semaphore_mem>>) src(%dma_wait3A_98 : memref<80xi32, #tpu.memory_space<hbm>>) dst(%dma_wait3A_97 : memref<80xi32, #tpu.memory_space<vmem>>)
        tpu.yield
      }) : () -> ()
    } else {
    }
    %dma_start3A = arith.constant 0 : i32
    %dma_start3A_21 = tpu.memref_slice %arg2[%mul3A_18, %dma_start3A] : memref<100000x128xf32, #tpu.memory_space<hbm>> -> memref<80x128xf32, #tpu.memory_space<hbm>>
    %dma_start3A_22 = arith.constant 0 : i32
    %dma_start3A_23 = tpu.memref_slice %arg2[%mul3A_18, %dma_start3A_22] : memref<100000x128xf32, #tpu.memory_space<hbm>> -> memref<80x128xf32, #tpu.memory_space<hbm>>
    tpu.enqueue_dma source(%dma_start3A_23 : memref<80x128xf32, #tpu.memory_space<hbm>>) target(%arg9 : memref<80x128xf32, #tpu.memory_space<vmem>>) target_semaphore(%arg18 : memref<!tpu.dma_semaphore, #tpu.memory_space<semaphore_mem>>)
    %while3A = arith.constant 0 : i32
    %while3A_24 = arith.constant 0 : i32
    %while3A_25 = arith.subi %add3A_12, %while3A_24 : i32
    %while3A_26 = arith.addi %while3A_24, %while3A_25 : i32
    %while3A_27 = arith.constant 1 : i32
    %while3A_28 = arith.divsi %while3A_25, %while3A_27 : i32
    %while3A_29 = arith.muli %while3A_28, %while3A_27 : i32
    %while3A_30 = arith.addi %while3A_24, %while3A_29 : i32
    %while3A_31 = arith.constant 1 : i32
    scf.for %while3A_84 = %while3A_24 to %while3A_30 step %while3A_31  : i32 {
      %jit3A_85 = arith.constant 2 : i32
      %eq3A_86 = arith.constant 0 : i32
      %eq3A_87 = arith.cmpi eq, %jit3A_85, %eq3A_86 : i32
      %jit3A_88 = arith.constant 1 : i32
      %select_n3A_89 = arith.select %eq3A_87, %jit3A_88, %jit3A_85 : i32
      %rem3A_90 = arith.remsi %while3A_84, %select_n3A_89 : i32
      %ne3A_91 = arith.constant 0 : i32
      %ne3A_92 = arith.cmpi ne, %rem3A_90, %ne3A_91 : i32
      %lt3A_93 = arith.constant 0 : i32
      %lt3A_94 = arith.cmpi slt, %rem3A_90, %lt3A_93 : i32
      %lt3A_95 = arith.constant 0 : i32
      %lt3A_96 = arith.cmpi slt, %select_n3A_89, %lt3A_95 : i32
      %ne3A_97 = arith.xori %lt3A_94, %lt3A_96 : i1
      %and3A_98 = arith.andi %ne3A_97, %ne3A_92 : i1
      %add3A_99 = arith.addi %rem3A_90, %select_n3A_89 : i32
      %select_n3A_100 = arith.select %and3A_98, %add3A_99, %rem3A_90 : i32
      %eq3A_101 = arith.constant 0 : i32
      %eq3A_102 = arith.cmpi eq, %select_n3A_100, %eq3A_101 : i32
      %convert_element_type3A_103 = arith.extui %eq3A_102 : i1 to i32
      %cond3A_104 = arith.constant 0 : i32
      %cond3A_105 = arith.cmpi ne, %convert_element_type3A_103, %cond3A_104 : i32
      scf.if %cond3A_105 {
        %mul3A_127 = arith.constant 80 : i32
        %mul3A_128 = arith.muli %while3A_84, %mul3A_127 : i32
        %add3A_129 = arith.addi %mul3A_18, %mul3A_128 : i32
        %dma_wait3A = arith.constant 0 : i32
        %dma_wait3A_130 = tpu.memref_slice %arg2[%add3A_129, %dma_wait3A] : memref<100000x128xf32, #tpu.memory_space<hbm>> -> memref<80x128xf32, #tpu.memory_space<hbm>>
        %dma_wait3A_131 = arith.constant 0 : i32
        %dma_wait3A_132 = tpu.memref_slice %arg2[%add3A_129, %dma_wait3A_131] : memref<100000x128xf32, #tpu.memory_space<hbm>> -> memref<80x128xf32, #tpu.memory_space<hbm>>
        tpu.wait_dma2 semaphore(%arg18 : memref<!tpu.dma_semaphore, #tpu.memory_space<semaphore_mem>>) src(%dma_wait3A_132 : memref<80x128xf32, #tpu.memory_space<hbm>>) dst(%arg9 : memref<80x128xf32, #tpu.memory_space<vmem>>)
        %mul3A_133 = arith.constant 80 : i32
        %mul3A_134 = arith.muli %while3A_84, %mul3A_133 : i32
        %add3A_135 = arith.constant 0 : i32
        %add3A_136 = arith.addi %mul3A_134, %add3A_135 : i32
        %get3A = arith.index_cast %add3A_136 : i32 to index
        %get3A_137 = tpu.vector_load %arg12[%get3A] {strides = array<i32>} : memref<3200xi32, #tpu.memory_space<vmem>>, vector<16xi32>,
        %get3A_138 = vector.shape_cast %get3A_137 : vector<16xi32> to vector<16xi32>
        %get3A_139 = arith.index_cast %add3A_136 : i32 to index
        %get3A_140 = tpu.vector_load %arg11[%get3A_139] {strides = array<i32>} : memref<3200xi32, #tpu.memory_space<vmem>>, vector<16xi32>,
        %get3A_141 = vector.shape_cast %get3A_140 : vector<16xi32> to vector<16xi32>
        %eq3A_142 = arith.constant 100 : i32
        %eq3A_143 = vector.broadcast %eq3A_142 : i32 to vector<16xi32>
        %eq3A_144 = arith.cmpi eq, %get3A_141, %eq3A_143 : vector<16xi32>
        %jit3A_145 = arith.constant 512 : i32
        %jit3A_146 = arith.constant 0 : i32
        %broadcast_in_dim3A = vector.broadcast %jit3A_145 : i32 to vector<16xi32>
        %broadcast_in_dim3A_147 = vector.broadcast %jit3A_146 : i32 to vector<16xi32>
        %select_n3A_148 = arith.select %eq3A_144, %broadcast_in_dim3A, %broadcast_in_dim3A_147 : vector<16xi1>, vector<16xi32>
        %add3A_149 = arith.addi %get3A_138, %select_n3A_148 : vector<16xi32>
        %swap3A = arith.constant 0 : index
        %swap3A_150 = tpu.vector_load %arg13[%swap3A] {strides = array<i32>} : memref<80xi32, #tpu.memory_space<vmem>>, vector<16xi32>,
        %swap3A_151 = vector.shape_cast %swap3A_150 : vector<16xi32> to vector<16xi32>
        %swap3A_152 = vector.shape_cast %add3A_149 : vector<16xi32> to vector<16xi32>
        tpu.vector_store %arg13[%swap3A], %swap3A_152 {strides = array<i32>} : memref<80xi32, #tpu.memory_space<vmem>>, vector<16xi32>,
        %mul3A_153 = arith.constant 80 : i32
        %mul3A_154 = arith.muli %while3A_84, %mul3A_153 : i32
        %add3A_155 = arith.constant 16 : i32
        %add3A_156 = arith.addi %mul3A_154, %add3A_155 : i32
        %get3A_157 = arith.index_cast %add3A_156 : i32 to index
        %get3A_158 = tpu.vector_load %arg12[%get3A_157] {strides = array<i32>} : memref<3200xi32, #tpu.memory_space<vmem>>, vector<16xi32>,
        %get3A_159 = vector.shape_cast %get3A_158 : vector<16xi32> to vector<16xi32>
        %get3A_160 = arith.index_cast %add3A_156 : i32 to index
        %get3A_161 = tpu.vector_load %arg11[%get3A_160] {strides = array<i32>} : memref<3200xi32, #tpu.memory_space<vmem>>, vector<16xi32>,
        %get3A_162 = vector.shape_cast %get3A_161 : vector<16xi32> to vector<16xi32>
        %eq3A_163 = arith.constant 100 : i32
        %eq3A_164 = vector.broadcast %eq3A_163 : i32 to vector<16xi32>
        %eq3A_165 = arith.cmpi eq, %get3A_162, %eq3A_164 : vector<16xi32>
        %jit3A_166 = arith.constant 512 : i32
        %jit3A_167 = arith.constant 0 : i32
        %broadcast_in_dim3A_168 = vector.broadcast %jit3A_166 : i32 to vector<16xi32>
        %broadcast_in_dim3A_169 = vector.broadcast %jit3A_167 : i32 to vector<16xi32>
        %select_n3A_170 = arith.select %eq3A_165, %broadcast_in_dim3A_168, %broadcast_in_dim3A_169 : vector<16xi1>, vector<16xi32>
        %add3A_171 = arith.addi %get3A_159, %select_n3A_170 : vector<16xi32>
        %swap3A_172 = arith.constant 16 : index
        %swap3A_173 = tpu.vector_load %arg13[%swap3A_172] {strides = array<i32>} : memref<80xi32, #tpu.memory_space<vmem>>, vector<16xi32>,
        %swap3A_174 = vector.shape_cast %swap3A_173 : vector<16xi32> to vector<16xi32>
        %swap3A_175 = vector.shape_cast %add3A_171 : vector<16xi32> to vector<16xi32>
        tpu.vector_store %arg13[%swap3A_172], %swap3A_175 {strides = array<i32>} : memref<80xi32, #tpu.memory_space<vmem>>, vector<16xi32>,
        %mul3A_176 = arith.constant 80 : i32
        %mul3A_177 = arith.muli %while3A_84, %mul3A_176 : i32
        %add3A_178 = arith.constant 32 : i32
        %add3A_179 = arith.addi %mul3A_177, %add3A_178 : i32
        %get3A_180 = arith.index_cast %add3A_179 : i32 to index
        %get3A_181 = tpu.vector_load %arg12[%get3A_180] {strides = array<i32>} : memref<3200xi32, #tpu.memory_space<vmem>>, vector<16xi32>,
        %get3A_182 = vector.shape_cast %get3A_181 : vector<16xi32> to vector<16xi32>
        %get3A_183 = arith.index_cast %add3A_179 : i32 to index
        %get3A_184 = tpu.vector_load %arg11[%get3A_183] {strides = array<i32>} : memref<3200xi32, #tpu.memory_space<vmem>>, vector<16xi32>,
        %get3A_185 = vector.shape_cast %get3A_184 : vector<16xi32> to vector<16xi32>
        %eq3A_186 = arith.constant 100 : i32
        %eq3A_187 = vector.broadcast %eq3A_186 : i32 to vector<16xi32>
        %eq3A_188 = arith.cmpi eq, %get3A_185, %eq3A_187 : vector<16xi32>
        %jit3A_189 = arith.constant 512 : i32
        %jit3A_190 = arith.constant 0 : i32
        %broadcast_in_dim3A_191 = vector.broadcast %jit3A_189 : i32 to vector<16xi32>
        %broadcast_in_dim3A_192 = vector.broadcast %jit3A_190 : i32 to vector<16xi32>
        %select_n3A_193 = arith.select %eq3A_188, %broadcast_in_dim3A_191, %broadcast_in_dim3A_192 : vector<16xi1>, vector<16xi32>
        %add3A_194 = arith.addi %get3A_182, %select_n3A_193 : vector<16xi32>
        %swap3A_195 = arith.constant 32 : index
        %swap3A_196 = tpu.vector_load %arg13[%swap3A_195] {strides = array<i32>} : memref<80xi32, #tpu.memory_space<vmem>>, vector<16xi32>,
        %swap3A_197 = vector.shape_cast %swap3A_196 : vector<16xi32> to vector<16xi32>
        %swap3A_198 = vector.shape_cast %add3A_194 : vector<16xi32> to vector<16xi32>
        tpu.vector_store %arg13[%swap3A_195], %swap3A_198 {strides = array<i32>} : memref<80xi32, #tpu.memory_space<vmem>>, vector<16xi32>,
        %mul3A_199 = arith.constant 80 : i32
        %mul3A_200 = arith.muli %while3A_84, %mul3A_199 : i32
        %add3A_201 = arith.constant 48 : i32
        %add3A_202 = arith.addi %mul3A_200, %add3A_201 : i32
        %get3A_203 = arith.index_cast %add3A_202 : i32 to index
        %get3A_204 = tpu.vector_load %arg12[%get3A_203] {strides = array<i32>} : memref<3200xi32, #tpu.memory_space<vmem>>, vector<16xi32>,
        %get3A_205 = vector.shape_cast %get3A_204 : vector<16xi32> to vector<16xi32>
        %get3A_206 = arith.index_cast %add3A_202 : i32 to index
        %get3A_207 = tpu.vector_load %arg11[%get3A_206] {strides = array<i32>} : memref<3200xi32, #tpu.memory_space<vmem>>, vector<16xi32>,
        %get3A_208 = vector.shape_cast %get3A_207 : vector<16xi32> to vector<16xi32>
        %eq3A_209 = arith.constant 100 : i32
        %eq3A_210 = vector.broadcast %eq3A_209 : i32 to vector<16xi32>
        %eq3A_211 = arith.cmpi eq, %get3A_208, %eq3A_210 : vector<16xi32>
        %jit3A_212 = arith.constant 512 : i32
        %jit3A_213 = arith.constant 0 : i32
        %broadcast_in_dim3A_214 = vector.broadcast %jit3A_212 : i32 to vector<16xi32>
        %broadcast_in_dim3A_215 = vector.broadcast %jit3A_213 : i32 to vector<16xi32>
        %select_n3A_216 = arith.select %eq3A_211, %broadcast_in_dim3A_214, %broadcast_in_dim3A_215 : vector<16xi1>, vector<16xi32>
        %add3A_217 = arith.addi %get3A_205, %select_n3A_216 : vector<16xi32>
        %swap3A_218 = arith.constant 48 : index
        %swap3A_219 = tpu.vector_load %arg13[%swap3A_218] {strides = array<i32>} : memref<80xi32, #tpu.memory_space<vmem>>, vector<16xi32>,
        %swap3A_220 = vector.shape_cast %swap3A_219 : vector<16xi32> to vector<16xi32>
        %swap3A_221 = vector.shape_cast %add3A_217 : vector<16xi32> to vector<16xi32>
        tpu.vector_store %arg13[%swap3A_218], %swap3A_221 {strides = array<i32>} : memref<80xi32, #tpu.memory_space<vmem>>, vector<16xi32>,
        %mul3A_222 = arith.constant 80 : i32
        %mul3A_223 = arith.muli %while3A_84, %mul3A_222 : i32
        %add3A_224 = arith.constant 64 : i32
        %add3A_225 = arith.addi %mul3A_223, %add3A_224 : i32
        %get3A_226 = arith.index_cast %add3A_225 : i32 to index
        %get3A_227 = tpu.vector_load %arg12[%get3A_226] {strides = array<i32>} : memref<3200xi32, #tpu.memory_space<vmem>>, vector<16xi32>,
        %get3A_228 = vector.shape_cast %get3A_227 : vector<16xi32> to vector<16xi32>
        %get3A_229 = arith.index_cast %add3A_225 : i32 to index
        %get3A_230 = tpu.vector_load %arg11[%get3A_229] {strides = array<i32>} : memref<3200xi32, #tpu.memory_space<vmem>>, vector<16xi32>,
        %get3A_231 = vector.shape_cast %get3A_230 : vector<16xi32> to vector<16xi32>
        %eq3A_232 = arith.constant 100 : i32
        %eq3A_233 = vector.broadcast %eq3A_232 : i32 to vector<16xi32>
        %eq3A_234 = arith.cmpi eq, %get3A_231, %eq3A_233 : vector<16xi32>
        %jit3A_235 = arith.constant 512 : i32
        %jit3A_236 = arith.constant 0 : i32
        %broadcast_in_dim3A_237 = vector.broadcast %jit3A_235 : i32 to vector<16xi32>
        %broadcast_in_dim3A_238 = vector.broadcast %jit3A_236 : i32 to vector<16xi32>
        %select_n3A_239 = arith.select %eq3A_234, %broadcast_in_dim3A_237, %broadcast_in_dim3A_238 : vector<16xi1>, vector<16xi32>
        %add3A_240 = arith.addi %get3A_228, %select_n3A_239 : vector<16xi32>
        %swap3A_241 = arith.constant 64 : index
        %swap3A_242 = tpu.vector_load %arg13[%swap3A_241] {strides = array<i32>} : memref<80xi32, #tpu.memory_space<vmem>>, vector<16xi32>,
        %swap3A_243 = vector.shape_cast %swap3A_242 : vector<16xi32> to vector<16xi32>
        %swap3A_244 = vector.shape_cast %add3A_240 : vector<16xi32> to vector<16xi32>
        tpu.vector_store %arg13[%swap3A_241], %swap3A_244 {strides = array<i32>} : memref<80xi32, #tpu.memory_space<vmem>>, vector<16xi32>,
        %dma_start3A_245 = arith.constant 0 : i32
        %dma_start3A_246 = arith.constant 0 : i32
        %dma_start3A_247 = tpu.memref_slice %arg16[%dma_start3A_245, %dma_start3A_246] : memref<1152x128xf32, #tpu.memory_space<vmem_shared>> -> memref<1152x128xf32, #tpu.memory_space<vmem_shared>>
        tpu.enqueue_indirect_dma source(%arg9 : memref<80x128xf32, #tpu.memory_space<vmem>>) target(%dma_start3A_247 : memref<1152x128xf32, #tpu.memory_space<vmem_shared>>) offsets(%arg13 : memref<80xi32, #tpu.memory_space<vmem>>) semaphore(%arg20 : memref<!tpu.dma_semaphore, #tpu.memory_space<semaphore_mem>>) {add = true}
        %dma_start3A_248 = arith.constant 0 : i32
        %dma_start3A_249 = arith.constant 0 : i32
        %dma_start3A_250 = tpu.memref_slice %arg17[%dma_start3A_248, %dma_start3A_249] : memref<1152x128xf32, #tpu.memory_space<vmem_shared>> -> memref<1152x128xf32, #tpu.memory_space<vmem_shared>>
        tpu.enqueue_indirect_dma source(%arg15 : memref<80x128xf32, #tpu.memory_space<vmem>>) target(%dma_start3A_250 : memref<1152x128xf32, #tpu.memory_space<vmem_shared>>) offsets(%arg13 : memref<80xi32, #tpu.memory_space<vmem>>) semaphore(%arg22 : memref<!tpu.dma_semaphore, #tpu.memory_space<semaphore_mem>>) {add = true}
        %ge3A = arith.constant 1 : i32
        %ge3A_251 = arith.cmpi sge, %while3A_84, %ge3A : i32
        %convert_element_type3A_252 = arith.extui %ge3A_251 : i1 to i32
        %cond3A_253 = arith.constant 0 : i32
        %cond3A_254 = arith.cmpi ne, %convert_element_type3A_252, %cond3A_253 : i32
        scf.if %cond3A_254 {
          %dma_wait3A_261 = arith.constant 0 : i32
          %dma_wait3A_262 = arith.constant 0 : i32
          %dma_wait3A_263 = tpu.memref_slice %arg16[%dma_wait3A_261, %dma_wait3A_262] : memref<1152x128xf32, #tpu.memory_space<vmem_shared>> -> memref<1152x128xf32, #tpu.memory_space<vmem_shared>>
          tpu.wait_indirect_dma semaphore(%arg21 : memref<!tpu.dma_semaphore, #tpu.memory_space<semaphore_mem>>) src(%arg10 : memref<80x128xf32, #tpu.memory_space<vmem>>) dst(%dma_wait3A_263 : memref<1152x128xf32, #tpu.memory_space<vmem_shared>>)
          %dma_wait3A_264 = arith.constant 0 : i32
          %dma_wait3A_265 = arith.constant 0 : i32
          %dma_wait3A_266 = tpu.memref_slice %arg17[%dma_wait3A_264, %dma_wait3A_265] : memref<1152x128xf32, #tpu.memory_space<vmem_shared>> -> memref<1152x128xf32, #tpu.memory_space<vmem_shared>>
          tpu.wait_indirect_dma semaphore(%arg23 : memref<!tpu.dma_semaphore, #tpu.memory_space<semaphore_mem>>) src(%arg15 : memref<80x128xf32, #tpu.memory_space<vmem>>) dst(%dma_wait3A_266 : memref<1152x128xf32, #tpu.memory_space<vmem_shared>>)
        } else {
        }
        %add3A_255 = arith.constant 1 : i32
        %add3A_256 = arith.addi %while3A_84, %add3A_255 : i32
        %lt3A_257 = arith.cmpi slt, %add3A_256, %add3A_12 : i32
        %convert_element_type3A_258 = arith.extui %lt3A_257 : i1 to i32
        %cond3A_259 = arith.constant 0 : i32
        %cond3A_260 = arith.cmpi ne, %convert_element_type3A_258, %cond3A_259 : i32
        scf.if %cond3A_260 {
          %add3A_261 = arith.constant 80 : i32
          %add3A_262 = arith.addi %add3A_129, %add3A_261 : i32
          %dma_start3A_263 = arith.constant 0 : i32
          %dma_start3A_264 = tpu.memref_slice %arg2[%add3A_262, %dma_start3A_263] : memref<100000x128xf32, #tpu.memory_space<hbm>> -> memref<80x128xf32, #tpu.memory_space<hbm>>
          %dma_start3A_265 = arith.constant 0 : i32
          %dma_start3A_266 = tpu.memref_slice %arg2[%add3A_262, %dma_start3A_265] : memref<100000x128xf32, #tpu.memory_space<hbm>> -> memref<80x128xf32, #tpu.memory_space<hbm>>
          tpu.enqueue_dma source(%dma_start3A_266 : memref<80x128xf32, #tpu.memory_space<hbm>>) target(%arg10 : memref<80x128xf32, #tpu.memory_space<vmem>>) target_semaphore(%arg19 : memref<!tpu.dma_semaphore, #tpu.memory_space<semaphore_mem>>)
        } else {
        }
      } else {
      }
      %jit3A_106 = arith.constant 2 : i32
      %eq3A_107 = arith.constant 0 : i32
      %eq3A_108 = arith.cmpi eq, %jit3A_106, %eq3A_107 : i32
      %jit3A_109 = arith.constant 1 : i32
      %select_n3A_110 = arith.select %eq3A_108, %jit3A_109, %jit3A_106 : i32
      %rem3A_111 = arith.remsi %while3A_84, %select_n3A_110 : i32
      %ne3A_112 = arith.constant 0 : i32
      %ne3A_113 = arith.cmpi ne, %rem3A_111, %ne3A_112 : i32
      %lt3A_114 = arith.constant 0 : i32
      %lt3A_115 = arith.cmpi slt, %rem3A_111, %lt3A_114 : i32
      %lt3A_116 = arith.constant 0 : i32
      %lt3A_117 = arith.cmpi slt, %select_n3A_110, %lt3A_116 : i32
      %ne3A_118 = arith.xori %lt3A_115, %lt3A_117 : i1
      %and3A_119 = arith.andi %ne3A_118, %ne3A_113 : i1
      %add3A_120 = arith.addi %rem3A_111, %select_n3A_110 : i32
      %select_n3A_121 = arith.select %and3A_119, %add3A_120, %rem3A_111 : i32
      %eq3A_122 = arith.constant 1 : i32
      %eq3A_123 = arith.cmpi eq, %select_n3A_121, %eq3A_122 : i32
      %convert_element_type3A_124 = arith.extui %eq3A_123 : i1 to i32
      %cond3A_125 = arith.constant 0 : i32
      %cond3A_126 = arith.cmpi ne, %convert_element_type3A_124, %cond3A_125 : i32
      scf.if %cond3A_126 {
        %mul3A_127 = arith.constant 80 : i32
        %mul3A_128 = arith.muli %while3A_84, %mul3A_127 : i32
        %add3A_129 = arith.addi %mul3A_18, %mul3A_128 : i32
        %dma_wait3A = arith.constant 0 : i32
        %dma_wait3A_130 = tpu.memref_slice %arg2[%add3A_129, %dma_wait3A] : memref<100000x128xf32, #tpu.memory_space<hbm>> -> memref<80x128xf32, #tpu.memory_space<hbm>>
        %dma_wait3A_131 = arith.constant 0 : i32
        %dma_wait3A_132 = tpu.memref_slice %arg2[%add3A_129, %dma_wait3A_131] : memref<100000x128xf32, #tpu.memory_space<hbm>> -> memref<80x128xf32, #tpu.memory_space<hbm>>
        tpu.wait_dma2 semaphore(%arg19 : memref<!tpu.dma_semaphore, #tpu.memory_space<semaphore_mem>>) src(%dma_wait3A_132 : memref<80x128xf32, #tpu.memory_space<hbm>>) dst(%arg10 : memref<80x128xf32, #tpu.memory_space<vmem>>)
        %mul3A_133 = arith.constant 80 : i32
        %mul3A_134 = arith.muli %while3A_84, %mul3A_133 : i32
        %add3A_135 = arith.constant 0 : i32
        %add3A_136 = arith.addi %mul3A_134, %add3A_135 : i32
        %get3A = arith.index_cast %add3A_136 : i32 to index
        %get3A_137 = tpu.vector_load %arg12[%get3A] {strides = array<i32>} : memref<3200xi32, #tpu.memory_space<vmem>>, vector<16xi32>,
        %get3A_138 = vector.shape_cast %get3A_137 : vector<16xi32> to vector<16xi32>
        %get3A_139 = arith.index_cast %add3A_136 : i32 to index
        %get3A_140 = tpu.vector_load %arg11[%get3A_139] {strides = array<i32>} : memref<3200xi32, #tpu.memory_space<vmem>>, vector<16xi32>,
        %get3A_141 = vector.shape_cast %get3A_140 : vector<16xi32> to vector<16xi32>
        %eq3A_142 = arith.constant 100 : i32
        %eq3A_143 = vector.broadcast %eq3A_142 : i32 to vector<16xi32>
        %eq3A_144 = arith.cmpi eq, %get3A_141, %eq3A_143 : vector<16xi32>
        %jit3A_145 = arith.constant 512 : i32
        %jit3A_146 = arith.constant 0 : i32
        %broadcast_in_dim3A = vector.broadcast %jit3A_145 : i32 to vector<16xi32>
        %broadcast_in_dim3A_147 = vector.broadcast %jit3A_146 : i32 to vector<16xi32>
        %select_n3A_148 = arith.select %eq3A_144, %broadcast_in_dim3A, %broadcast_in_dim3A_147 : vector<16xi1>, vector<16xi32>
        %add3A_149 = arith.addi %get3A_138, %select_n3A_148 : vector<16xi32>
        %swap3A = arith.constant 0 : index
        %swap3A_150 = tpu.vector_load %arg14[%swap3A] {strides = array<i32>} : memref<80xi32, #tpu.memory_space<vmem>>, vector<16xi32>,
        %swap3A_151 = vector.shape_cast %swap3A_150 : vector<16xi32> to vector<16xi32>
        %swap3A_152 = vector.shape_cast %add3A_149 : vector<16xi32> to vector<16xi32>
        tpu.vector_store %arg14[%swap3A], %swap3A_152 {strides = array<i32>} : memref<80xi32, #tpu.memory_space<vmem>>, vector<16xi32>,
        %mul3A_153 = arith.constant 80 : i32
        %mul3A_154 = arith.muli %while3A_84, %mul3A_153 : i32
        %add3A_155 = arith.constant 16 : i32
        %add3A_156 = arith.addi %mul3A_154, %add3A_155 : i32
        %get3A_157 = arith.index_cast %add3A_156 : i32 to index
        %get3A_158 = tpu.vector_load %arg12[%get3A_157] {strides = array<i32>} : memref<3200xi32, #tpu.memory_space<vmem>>, vector<16xi32>,
        %get3A_159 = vector.shape_cast %get3A_158 : vector<16xi32> to vector<16xi32>
        %get3A_160 = arith.index_cast %add3A_156 : i32 to index
        %get3A_161 = tpu.vector_load %arg11[%get3A_160] {strides = array<i32>} : memref<3200xi32, #tpu.memory_space<vmem>>, vector<16xi32>,
        %get3A_162 = vector.shape_cast %get3A_161 : vector<16xi32> to vector<16xi32>
        %eq3A_163 = arith.constant 100 : i32
        %eq3A_164 = vector.broadcast %eq3A_163 : i32 to vector<16xi32>
        %eq3A_165 = arith.cmpi eq, %get3A_162, %eq3A_164 : vector<16xi32>
        %jit3A_166 = arith.constant 512 : i32
        %jit3A_167 = arith.constant 0 : i32
        %broadcast_in_dim3A_168 = vector.broadcast %jit3A_166 : i32 to vector<16xi32>
        %broadcast_in_dim3A_169 = vector.broadcast %jit3A_167 : i32 to vector<16xi32>
        %select_n3A_170 = arith.select %eq3A_165, %broadcast_in_dim3A_168, %broadcast_in_dim3A_169 : vector<16xi1>, vector<16xi32>
        %add3A_171 = arith.addi %get3A_159, %select_n3A_170 : vector<16xi32>
        %swap3A_172 = arith.constant 16 : index
        %swap3A_173 = tpu.vector_load %arg14[%swap3A_172] {strides = array<i32>} : memref<80xi32, #tpu.memory_space<vmem>>, vector<16xi32>,
        %swap3A_174 = vector.shape_cast %swap3A_173 : vector<16xi32> to vector<16xi32>
        %swap3A_175 = vector.shape_cast %add3A_171 : vector<16xi32> to vector<16xi32>
        tpu.vector_store %arg14[%swap3A_172], %swap3A_175 {strides = array<i32>} : memref<80xi32, #tpu.memory_space<vmem>>, vector<16xi32>,
        %mul3A_176 = arith.constant 80 : i32
        %mul3A_177 = arith.muli %while3A_84, %mul3A_176 : i32
        %add3A_178 = arith.constant 32 : i32
        %add3A_179 = arith.addi %mul3A_177, %add3A_178 : i32
        %get3A_180 = arith.index_cast %add3A_179 : i32 to index
        %get3A_181 = tpu.vector_load %arg12[%get3A_180] {strides = array<i32>} : memref<3200xi32, #tpu.memory_space<vmem>>, vector<16xi32>,
        %get3A_182 = vector.shape_cast %get3A_181 : vector<16xi32> to vector<16xi32>
        %get3A_183 = arith.index_cast %add3A_179 : i32 to index
        %get3A_184 = tpu.vector_load %arg11[%get3A_183] {strides = array<i32>} : memref<3200xi32, #tpu.memory_space<vmem>>, vector<16xi32>,
        %get3A_185 = vector.shape_cast %get3A_184 : vector<16xi32> to vector<16xi32>
        %eq3A_186 = arith.constant 100 : i32
        %eq3A_187 = vector.broadcast %eq3A_186 : i32 to vector<16xi32>
        %eq3A_188 = arith.cmpi eq, %get3A_185, %eq3A_187 : vector<16xi32>
        %jit3A_189 = arith.constant 512 : i32
        %jit3A_190 = arith.constant 0 : i32
        %broadcast_in_dim3A_191 = vector.broadcast %jit3A_189 : i32 to vector<16xi32>
        %broadcast_in_dim3A_192 = vector.broadcast %jit3A_190 : i32 to vector<16xi32>
        %select_n3A_193 = arith.select %eq3A_188, %broadcast_in_dim3A_191, %broadcast_in_dim3A_192 : vector<16xi1>, vector<16xi32>
        %add3A_194 = arith.addi %get3A_182, %select_n3A_193 : vector<16xi32>
        %swap3A_195 = arith.constant 32 : index
        %swap3A_196 = tpu.vector_load %arg14[%swap3A_195] {strides = array<i32>} : memref<80xi32, #tpu.memory_space<vmem>>, vector<16xi32>,
        %swap3A_197 = vector.shape_cast %swap3A_196 : vector<16xi32> to vector<16xi32>
        %swap3A_198 = vector.shape_cast %add3A_194 : vector<16xi32> to vector<16xi32>
        tpu.vector_store %arg14[%swap3A_195], %swap3A_198 {strides = array<i32>} : memref<80xi32, #tpu.memory_space<vmem>>, vector<16xi32>,
        %mul3A_199 = arith.constant 80 : i32
        %mul3A_200 = arith.muli %while3A_84, %mul3A_199 : i32
        %add3A_201 = arith.constant 48 : i32
        %add3A_202 = arith.addi %mul3A_200, %add3A_201 : i32
        %get3A_203 = arith.index_cast %add3A_202 : i32 to index
        %get3A_204 = tpu.vector_load %arg12[%get3A_203] {strides = array<i32>} : memref<3200xi32, #tpu.memory_space<vmem>>, vector<16xi32>,
        %get3A_205 = vector.shape_cast %get3A_204 : vector<16xi32> to vector<16xi32>
        %get3A_206 = arith.index_cast %add3A_202 : i32 to index
        %get3A_207 = tpu.vector_load %arg11[%get3A_206] {strides = array<i32>} : memref<3200xi32, #tpu.memory_space<vmem>>, vector<16xi32>,
        %get3A_208 = vector.shape_cast %get3A_207 : vector<16xi32> to vector<16xi32>
        %eq3A_209 = arith.constant 100 : i32
        %eq3A_210 = vector.broadcast %eq3A_209 : i32 to vector<16xi32>
        %eq3A_211 = arith.cmpi eq, %get3A_208, %eq3A_210 : vector<16xi32>
        %jit3A_212 = arith.constant 512 : i32
        %jit3A_213 = arith.constant 0 : i32
        %broadcast_in_dim3A_214 = vector.broadcast %jit3A_212 : i32 to vector<16xi32>
        %broadcast_in_dim3A_215 = vector.broadcast %jit3A_213 : i32 to vector<16xi32>
        %select_n3A_216 = arith.select %eq3A_211, %broadcast_in_dim3A_214, %broadcast_in_dim3A_215 : vector<16xi1>, vector<16xi32>
        %add3A_217 = arith.addi %get3A_205, %select_n3A_216 : vector<16xi32>
        %swap3A_218 = arith.constant 48 : index
        %swap3A_219 = tpu.vector_load %arg14[%swap3A_218] {strides = array<i32>} : memref<80xi32, #tpu.memory_space<vmem>>, vector<16xi32>,
        %swap3A_220 = vector.shape_cast %swap3A_219 : vector<16xi32> to vector<16xi32>
        %swap3A_221 = vector.shape_cast %add3A_217 : vector<16xi32> to vector<16xi32>
        tpu.vector_store %arg14[%swap3A_218], %swap3A_221 {strides = array<i32>} : memref<80xi32, #tpu.memory_space<vmem>>, vector<16xi32>,
        %mul3A_222 = arith.constant 80 : i32
        %mul3A_223 = arith.muli %while3A_84, %mul3A_222 : i32
        %add3A_224 = arith.constant 64 : i32
        %add3A_225 = arith.addi %mul3A_223, %add3A_224 : i32
        %get3A_226 = arith.index_cast %add3A_225 : i32 to index
        %get3A_227 = tpu.vector_load %arg12[%get3A_226] {strides = array<i32>} : memref<3200xi32, #tpu.memory_space<vmem>>, vector<16xi32>,
        %get3A_228 = vector.shape_cast %get3A_227 : vector<16xi32> to vector<16xi32>
        %get3A_229 = arith.index_cast %add3A_225 : i32 to index
        %get3A_230 = tpu.vector_load %arg11[%get3A_229] {strides = array<i32>} : memref<3200xi32, #tpu.memory_space<vmem>>, vector<16xi32>,
        %get3A_231 = vector.shape_cast %get3A_230 : vector<16xi32> to vector<16xi32>
        %eq3A_232 = arith.constant 100 : i32
        %eq3A_233 = vector.broadcast %eq3A_232 : i32 to vector<16xi32>
        %eq3A_234 = arith.cmpi eq, %get3A_231, %eq3A_233 : vector<16xi32>
        %jit3A_235 = arith.constant 512 : i32
        %jit3A_236 = arith.constant 0 : i32
        %broadcast_in_dim3A_237 = vector.broadcast %jit3A_235 : i32 to vector<16xi32>
        %broadcast_in_dim3A_238 = vector.broadcast %jit3A_236 : i32 to vector<16xi32>
        %select_n3A_239 = arith.select %eq3A_234, %broadcast_in_dim3A_237, %broadcast_in_dim3A_238 : vector<16xi1>, vector<16xi32>
        %add3A_240 = arith.addi %get3A_228, %select_n3A_239 : vector<16xi32>
        %swap3A_241 = arith.constant 64 : index
        %swap3A_242 = tpu.vector_load %arg14[%swap3A_241] {strides = array<i32>} : memref<80xi32, #tpu.memory_space<vmem>>, vector<16xi32>,
        %swap3A_243 = vector.shape_cast %swap3A_242 : vector<16xi32> to vector<16xi32>
        %swap3A_244 = vector.shape_cast %add3A_240 : vector<16xi32> to vector<16xi32>
        tpu.vector_store %arg14[%swap3A_241], %swap3A_244 {strides = array<i32>} : memref<80xi32, #tpu.memory_space<vmem>>, vector<16xi32>,
        %dma_start3A_245 = arith.constant 0 : i32
        %dma_start3A_246 = arith.constant 0 : i32
        %dma_start3A_247 = tpu.memref_slice %arg16[%dma_start3A_245, %dma_start3A_246] : memref<1152x128xf32, #tpu.memory_space<vmem_shared>> -> memref<1152x128xf32, #tpu.memory_space<vmem_shared>>
        tpu.enqueue_indirect_dma source(%arg10 : memref<80x128xf32, #tpu.memory_space<vmem>>) target(%dma_start3A_247 : memref<1152x128xf32, #tpu.memory_space<vmem_shared>>) offsets(%arg14 : memref<80xi32, #tpu.memory_space<vmem>>) semaphore(%arg21 : memref<!tpu.dma_semaphore, #tpu.memory_space<semaphore_mem>>) {add = true}
        %dma_start3A_248 = arith.constant 0 : i32
        %dma_start3A_249 = arith.constant 0 : i32
        %dma_start3A_250 = tpu.memref_slice %arg17[%dma_start3A_248, %dma_start3A_249] : memref<1152x128xf32, #tpu.memory_space<vmem_shared>> -> memref<1152x128xf32, #tpu.memory_space<vmem_shared>>
        tpu.enqueue_indirect_dma source(%arg15 : memref<80x128xf32, #tpu.memory_space<vmem>>) target(%dma_start3A_250 : memref<1152x128xf32, #tpu.memory_space<vmem_shared>>) offsets(%arg14 : memref<80xi32, #tpu.memory_space<vmem>>) semaphore(%arg23 : memref<!tpu.dma_semaphore, #tpu.memory_space<semaphore_mem>>) {add = true}
        %ge3A = arith.constant 1 : i32
        %ge3A_251 = arith.cmpi sge, %while3A_84, %ge3A : i32
        %convert_element_type3A_252 = arith.extui %ge3A_251 : i1 to i32
        %cond3A_253 = arith.constant 0 : i32
        %cond3A_254 = arith.cmpi ne, %convert_element_type3A_252, %cond3A_253 : i32
        scf.if %cond3A_254 {
          %dma_wait3A_261 = arith.constant 0 : i32
          %dma_wait3A_262 = arith.constant 0 : i32
          %dma_wait3A_263 = tpu.memref_slice %arg16[%dma_wait3A_261, %dma_wait3A_262] : memref<1152x128xf32, #tpu.memory_space<vmem_shared>> -> memref<1152x128xf32, #tpu.memory_space<vmem_shared>>
          tpu.wait_indirect_dma semaphore(%arg20 : memref<!tpu.dma_semaphore, #tpu.memory_space<semaphore_mem>>) src(%arg9 : memref<80x128xf32, #tpu.memory_space<vmem>>) dst(%dma_wait3A_263 : memref<1152x128xf32, #tpu.memory_space<vmem_shared>>)
          %dma_wait3A_264 = arith.constant 0 : i32
          %dma_wait3A_265 = arith.constant 0 : i32
          %dma_wait3A_266 = tpu.memref_slice %arg17[%dma_wait3A_264, %dma_wait3A_265] : memref<1152x128xf32, #tpu.memory_space<vmem_shared>> -> memref<1152x128xf32, #tpu.memory_space<vmem_shared>>
          tpu.wait_indirect_dma semaphore(%arg22 : memref<!tpu.dma_semaphore, #tpu.memory_space<semaphore_mem>>) src(%arg15 : memref<80x128xf32, #tpu.memory_space<vmem>>) dst(%dma_wait3A_266 : memref<1152x128xf32, #tpu.memory_space<vmem_shared>>)
        } else {
        }
        %add3A_255 = arith.constant 1 : i32
        %add3A_256 = arith.addi %while3A_84, %add3A_255 : i32
        %lt3A_257 = arith.cmpi slt, %add3A_256, %add3A_12 : i32
        %convert_element_type3A_258 = arith.extui %lt3A_257 : i1 to i32
        %cond3A_259 = arith.constant 0 : i32
        %cond3A_260 = arith.cmpi ne, %convert_element_type3A_258, %cond3A_259 : i32
        scf.if %cond3A_260 {
          %add3A_261 = arith.constant 80 : i32
          %add3A_262 = arith.addi %add3A_129, %add3A_261 : i32
          %dma_start3A_263 = arith.constant 0 : i32
          %dma_start3A_264 = tpu.memref_slice %arg2[%add3A_262, %dma_start3A_263] : memref<100000x128xf32, #tpu.memory_space<hbm>> -> memref<80x128xf32, #tpu.memory_space<hbm>>
          %dma_start3A_265 = arith.constant 0 : i32
          %dma_start3A_266 = tpu.memref_slice %arg2[%add3A_262, %dma_start3A_265] : memref<100000x128xf32, #tpu.memory_space<hbm>> -> memref<80x128xf32, #tpu.memory_space<hbm>>
          tpu.enqueue_dma source(%dma_start3A_266 : memref<80x128xf32, #tpu.memory_space<hbm>>) target(%arg9 : memref<80x128xf32, #tpu.memory_space<vmem>>) target_semaphore(%arg18 : memref<!tpu.dma_semaphore, #tpu.memory_space<semaphore_mem>>)
        } else {
        }
      } else {
      }
    }
    %while3A_32 = arith.constant 1 : i32
    scf.for %while3A_84 = %while3A_30 to %while3A_26 step %while3A_32  : i32 {
      %jit3A_85 = arith.constant 2 : i32
      %eq3A_86 = arith.constant 0 : i32
      %eq3A_87 = arith.cmpi eq, %jit3A_85, %eq3A_86 : i32
      %jit3A_88 = arith.constant 1 : i32
      %select_n3A_89 = arith.select %eq3A_87, %jit3A_88, %jit3A_85 : i32
      %rem3A_90 = arith.remsi %while3A_84, %select_n3A_89 : i32
      %ne3A_91 = arith.constant 0 : i32
      %ne3A_92 = arith.cmpi ne, %rem3A_90, %ne3A_91 : i32
      %lt3A_93 = arith.constant 0 : i32
      %lt3A_94 = arith.cmpi slt, %rem3A_90, %lt3A_93 : i32
      %lt3A_95 = arith.constant 0 : i32
      %lt3A_96 = arith.cmpi slt, %select_n3A_89, %lt3A_95 : i32
      %ne3A_97 = arith.xori %lt3A_94, %lt3A_96 : i1
      %and3A_98 = arith.andi %ne3A_97, %ne3A_92 : i1
      %add3A_99 = arith.addi %rem3A_90, %select_n3A_89 : i32
      %select_n3A_100 = arith.select %and3A_98, %add3A_99, %rem3A_90 : i32
      %eq3A_101 = arith.constant 0 : i32
      %eq3A_102 = arith.cmpi eq, %select_n3A_100, %eq3A_101 : i32
      %convert_element_type3A_103 = arith.extui %eq3A_102 : i1 to i32
      %cond3A_104 = arith.constant 0 : i32
      %cond3A_105 = arith.cmpi ne, %convert_element_type3A_103, %cond3A_104 : i32
      scf.if %cond3A_105 {
        %mul3A_127 = arith.constant 80 : i32
        %mul3A_128 = arith.muli %while3A_84, %mul3A_127 : i32
        %add3A_129 = arith.addi %mul3A_18, %mul3A_128 : i32
        %dma_wait3A = arith.constant 0 : i32
        %dma_wait3A_130 = tpu.memref_slice %arg2[%add3A_129, %dma_wait3A] : memref<100000x128xf32, #tpu.memory_space<hbm>> -> memref<80x128xf32, #tpu.memory_space<hbm>>
        %dma_wait3A_131 = arith.constant 0 : i32
        %dma_wait3A_132 = tpu.memref_slice %arg2[%add3A_129, %dma_wait3A_131] : memref<100000x128xf32, #tpu.memory_space<hbm>> -> memref<80x128xf32, #tpu.memory_space<hbm>>
        tpu.wait_dma2 semaphore(%arg18 : memref<!tpu.dma_semaphore, #tpu.memory_space<semaphore_mem>>) src(%dma_wait3A_132 : memref<80x128xf32, #tpu.memory_space<hbm>>) dst(%arg9 : memref<80x128xf32, #tpu.memory_space<vmem>>)
        %mul3A_133 = arith.constant 80 : i32
        %mul3A_134 = arith.muli %while3A_84, %mul3A_133 : i32
        %add3A_135 = arith.constant 0 : i32
        %add3A_136 = arith.addi %mul3A_134, %add3A_135 : i32
        %get3A = arith.index_cast %add3A_136 : i32 to index
        %get3A_137 = tpu.vector_load %arg12[%get3A] {strides = array<i32>} : memref<3200xi32, #tpu.memory_space<vmem>>, vector<16xi32>,
        %get3A_138 = vector.shape_cast %get3A_137 : vector<16xi32> to vector<16xi32>
        %get3A_139 = arith.index_cast %add3A_136 : i32 to index
        %get3A_140 = tpu.vector_load %arg11[%get3A_139] {strides = array<i32>} : memref<3200xi32, #tpu.memory_space<vmem>>, vector<16xi32>,
        %get3A_141 = vector.shape_cast %get3A_140 : vector<16xi32> to vector<16xi32>
        %eq3A_142 = arith.constant 100 : i32
        %eq3A_143 = vector.broadcast %eq3A_142 : i32 to vector<16xi32>
        %eq3A_144 = arith.cmpi eq, %get3A_141, %eq3A_143 : vector<16xi32>
        %jit3A_145 = arith.constant 512 : i32
        %jit3A_146 = arith.constant 0 : i32
        %broadcast_in_dim3A = vector.broadcast %jit3A_145 : i32 to vector<16xi32>
        %broadcast_in_dim3A_147 = vector.broadcast %jit3A_146 : i32 to vector<16xi32>
        %select_n3A_148 = arith.select %eq3A_144, %broadcast_in_dim3A, %broadcast_in_dim3A_147 : vector<16xi1>, vector<16xi32>
        %add3A_149 = arith.addi %get3A_138, %select_n3A_148 : vector<16xi32>
        %swap3A = arith.constant 0 : index
        %swap3A_150 = tpu.vector_load %arg13[%swap3A] {strides = array<i32>} : memref<80xi32, #tpu.memory_space<vmem>>, vector<16xi32>,
        %swap3A_151 = vector.shape_cast %swap3A_150 : vector<16xi32> to vector<16xi32>
        %swap3A_152 = vector.shape_cast %add3A_149 : vector<16xi32> to vector<16xi32>
        tpu.vector_store %arg13[%swap3A], %swap3A_152 {strides = array<i32>} : memref<80xi32, #tpu.memory_space<vmem>>, vector<16xi32>,
        %mul3A_153 = arith.constant 80 : i32
        %mul3A_154 = arith.muli %while3A_84, %mul3A_153 : i32
        %add3A_155 = arith.constant 16 : i32
        %add3A_156 = arith.addi %mul3A_154, %add3A_155 : i32
        %get3A_157 = arith.index_cast %add3A_156 : i32 to index
        %get3A_158 = tpu.vector_load %arg12[%get3A_157] {strides = array<i32>} : memref<3200xi32, #tpu.memory_space<vmem>>, vector<16xi32>,
        %get3A_159 = vector.shape_cast %get3A_158 : vector<16xi32> to vector<16xi32>
        %get3A_160 = arith.index_cast %add3A_156 : i32 to index
        %get3A_161 = tpu.vector_load %arg11[%get3A_160] {strides = array<i32>} : memref<3200xi32, #tpu.memory_space<vmem>>, vector<16xi32>,
        %get3A_162 = vector.shape_cast %get3A_161 : vector<16xi32> to vector<16xi32>
        %eq3A_163 = arith.constant 100 : i32
        %eq3A_164 = vector.broadcast %eq3A_163 : i32 to vector<16xi32>
        %eq3A_165 = arith.cmpi eq, %get3A_162, %eq3A_164 : vector<16xi32>
        %jit3A_166 = arith.constant 512 : i32
        %jit3A_167 = arith.constant 0 : i32
        %broadcast_in_dim3A_168 = vector.broadcast %jit3A_166 : i32 to vector<16xi32>
        %broadcast_in_dim3A_169 = vector.broadcast %jit3A_167 : i32 to vector<16xi32>
        %select_n3A_170 = arith.select %eq3A_165, %broadcast_in_dim3A_168, %broadcast_in_dim3A_169 : vector<16xi1>, vector<16xi32>
        %add3A_171 = arith.addi %get3A_159, %select_n3A_170 : vector<16xi32>
        %swap3A_172 = arith.constant 16 : index
        %swap3A_173 = tpu.vector_load %arg13[%swap3A_172] {strides = array<i32>} : memref<80xi32, #tpu.memory_space<vmem>>, vector<16xi32>,
        %swap3A_174 = vector.shape_cast %swap3A_173 : vector<16xi32> to vector<16xi32>
        %swap3A_175 = vector.shape_cast %add3A_171 : vector<16xi32> to vector<16xi32>
        tpu.vector_store %arg13[%swap3A_172], %swap3A_175 {strides = array<i32>} : memref<80xi32, #tpu.memory_space<vmem>>, vector<16xi32>,
        %mul3A_176 = arith.constant 80 : i32
        %mul3A_177 = arith.muli %while3A_84, %mul3A_176 : i32
        %add3A_178 = arith.constant 32 : i32
        %add3A_179 = arith.addi %mul3A_177, %add3A_178 : i32
        %get3A_180 = arith.index_cast %add3A_179 : i32 to index
        %get3A_181 = tpu.vector_load %arg12[%get3A_180] {strides = array<i32>} : memref<3200xi32, #tpu.memory_space<vmem>>, vector<16xi32>,
        %get3A_182 = vector.shape_cast %get3A_181 : vector<16xi32> to vector<16xi32>
        %get3A_183 = arith.index_cast %add3A_179 : i32 to index
        %get3A_184 = tpu.vector_load %arg11[%get3A_183] {strides = array<i32>} : memref<3200xi32, #tpu.memory_space<vmem>>, vector<16xi32>,
        %get3A_185 = vector.shape_cast %get3A_184 : vector<16xi32> to vector<16xi32>
        %eq3A_186 = arith.constant 100 : i32
        %eq3A_187 = vector.broadcast %eq3A_186 : i32 to vector<16xi32>
        %eq3A_188 = arith.cmpi eq, %get3A_185, %eq3A_187 : vector<16xi32>
        %jit3A_189 = arith.constant 512 : i32
        %jit3A_190 = arith.constant 0 : i32
        %broadcast_in_dim3A_191 = vector.broadcast %jit3A_189 : i32 to vector<16xi32>
        %broadcast_in_dim3A_192 = vector.broadcast %jit3A_190 : i32 to vector<16xi32>
        %select_n3A_193 = arith.select %eq3A_188, %broadcast_in_dim3A_191, %broadcast_in_dim3A_192 : vector<16xi1>, vector<16xi32>
        %add3A_194 = arith.addi %get3A_182, %select_n3A_193 : vector<16xi32>
        %swap3A_195 = arith.constant 32 : index
        %swap3A_196 = tpu.vector_load %arg13[%swap3A_195] {strides = array<i32>} : memref<80xi32, #tpu.memory_space<vmem>>, vector<16xi32>,
        %swap3A_197 = vector.shape_cast %swap3A_196 : vector<16xi32> to vector<16xi32>
        %swap3A_198 = vector.shape_cast %add3A_194 : vector<16xi32> to vector<16xi32>
        tpu.vector_store %arg13[%swap3A_195], %swap3A_198 {strides = array<i32>} : memref<80xi32, #tpu.memory_space<vmem>>, vector<16xi32>,
        %mul3A_199 = arith.constant 80 : i32
        %mul3A_200 = arith.muli %while3A_84, %mul3A_199 : i32
        %add3A_201 = arith.constant 48 : i32
        %add3A_202 = arith.addi %mul3A_200, %add3A_201 : i32
        %get3A_203 = arith.index_cast %add3A_202 : i32 to index
        %get3A_204 = tpu.vector_load %arg12[%get3A_203] {strides = array<i32>} : memref<3200xi32, #tpu.memory_space<vmem>>, vector<16xi32>,
        %get3A_205 = vector.shape_cast %get3A_204 : vector<16xi32> to vector<16xi32>
        %get3A_206 = arith.index_cast %add3A_202 : i32 to index
        %get3A_207 = tpu.vector_load %arg11[%get3A_206] {strides = array<i32>} : memref<3200xi32, #tpu.memory_space<vmem>>, vector<16xi32>,
        %get3A_208 = vector.shape_cast %get3A_207 : vector<16xi32> to vector<16xi32>
        %eq3A_209 = arith.constant 100 : i32
        %eq3A_210 = vector.broadcast %eq3A_209 : i32 to vector<16xi32>
        %eq3A_211 = arith.cmpi eq, %get3A_208, %eq3A_210 : vector<16xi32>
        %jit3A_212 = arith.constant 512 : i32
        %jit3A_213 = arith.constant 0 : i32
        %broadcast_in_dim3A_214 = vector.broadcast %jit3A_212 : i32 to vector<16xi32>
        %broadcast_in_dim3A_215 = vector.broadcast %jit3A_213 : i32 to vector<16xi32>
        %select_n3A_216 = arith.select %eq3A_211, %broadcast_in_dim3A_214, %broadcast_in_dim3A_215 : vector<16xi1>, vector<16xi32>
        %add3A_217 = arith.addi %get3A_205, %select_n3A_216 : vector<16xi32>
        %swap3A_218 = arith.constant 48 : index
        %swap3A_219 = tpu.vector_load %arg13[%swap3A_218] {strides = array<i32>} : memref<80xi32, #tpu.memory_space<vmem>>, vector<16xi32>,
        %swap3A_220 = vector.shape_cast %swap3A_219 : vector<16xi32> to vector<16xi32>
        %swap3A_221 = vector.shape_cast %add3A_217 : vector<16xi32> to vector<16xi32>
        tpu.vector_store %arg13[%swap3A_218], %swap3A_221 {strides = array<i32>} : memref<80xi32, #tpu.memory_space<vmem>>, vector<16xi32>,
        %mul3A_222 = arith.constant 80 : i32
        %mul3A_223 = arith.muli %while3A_84, %mul3A_222 : i32
        %add3A_224 = arith.constant 64 : i32
        %add3A_225 = arith.addi %mul3A_223, %add3A_224 : i32
        %get3A_226 = arith.index_cast %add3A_225 : i32 to index
        %get3A_227 = tpu.vector_load %arg12[%get3A_226] {strides = array<i32>} : memref<3200xi32, #tpu.memory_space<vmem>>, vector<16xi32>,
        %get3A_228 = vector.shape_cast %get3A_227 : vector<16xi32> to vector<16xi32>
        %get3A_229 = arith.index_cast %add3A_225 : i32 to index
        %get3A_230 = tpu.vector_load %arg11[%get3A_229] {strides = array<i32>} : memref<3200xi32, #tpu.memory_space<vmem>>, vector<16xi32>,
        %get3A_231 = vector.shape_cast %get3A_230 : vector<16xi32> to vector<16xi32>
        %eq3A_232 = arith.constant 100 : i32
        %eq3A_233 = vector.broadcast %eq3A_232 : i32 to vector<16xi32>
        %eq3A_234 = arith.cmpi eq, %get3A_231, %eq3A_233 : vector<16xi32>
        %jit3A_235 = arith.constant 512 : i32
        %jit3A_236 = arith.constant 0 : i32
        %broadcast_in_dim3A_237 = vector.broadcast %jit3A_235 : i32 to vector<16xi32>
        %broadcast_in_dim3A_238 = vector.broadcast %jit3A_236 : i32 to vector<16xi32>
        %select_n3A_239 = arith.select %eq3A_234, %broadcast_in_dim3A_237, %broadcast_in_dim3A_238 : vector<16xi1>, vector<16xi32>
        %add3A_240 = arith.addi %get3A_228, %select_n3A_239 : vector<16xi32>
        %swap3A_241 = arith.constant 64 : index
        %swap3A_242 = tpu.vector_load %arg13[%swap3A_241] {strides = array<i32>} : memref<80xi32, #tpu.memory_space<vmem>>, vector<16xi32>,
        %swap3A_243 = vector.shape_cast %swap3A_242 : vector<16xi32> to vector<16xi32>
        %swap3A_244 = vector.shape_cast %add3A_240 : vector<16xi32> to vector<16xi32>
        tpu.vector_store %arg13[%swap3A_241], %swap3A_244 {strides = array<i32>} : memref<80xi32, #tpu.memory_space<vmem>>, vector<16xi32>,
        %dma_start3A_245 = arith.constant 0 : i32
        %dma_start3A_246 = arith.constant 0 : i32
        %dma_start3A_247 = tpu.memref_slice %arg16[%dma_start3A_245, %dma_start3A_246] : memref<1152x128xf32, #tpu.memory_space<vmem_shared>> -> memref<1152x128xf32, #tpu.memory_space<vmem_shared>>
        tpu.enqueue_indirect_dma source(%arg9 : memref<80x128xf32, #tpu.memory_space<vmem>>) target(%dma_start3A_247 : memref<1152x128xf32, #tpu.memory_space<vmem_shared>>) offsets(%arg13 : memref<80xi32, #tpu.memory_space<vmem>>) semaphore(%arg20 : memref<!tpu.dma_semaphore, #tpu.memory_space<semaphore_mem>>) {add = true}
        %dma_start3A_248 = arith.constant 0 : i32
        %dma_start3A_249 = arith.constant 0 : i32
        %dma_start3A_250 = tpu.memref_slice %arg17[%dma_start3A_248, %dma_start3A_249] : memref<1152x128xf32, #tpu.memory_space<vmem_shared>> -> memref<1152x128xf32, #tpu.memory_space<vmem_shared>>
        tpu.enqueue_indirect_dma source(%arg15 : memref<80x128xf32, #tpu.memory_space<vmem>>) target(%dma_start3A_250 : memref<1152x128xf32, #tpu.memory_space<vmem_shared>>) offsets(%arg13 : memref<80xi32, #tpu.memory_space<vmem>>) semaphore(%arg22 : memref<!tpu.dma_semaphore, #tpu.memory_space<semaphore_mem>>) {add = true}
        %ge3A = arith.constant 1 : i32
        %ge3A_251 = arith.cmpi sge, %while3A_84, %ge3A : i32
        %convert_element_type3A_252 = arith.extui %ge3A_251 : i1 to i32
        %cond3A_253 = arith.constant 0 : i32
        %cond3A_254 = arith.cmpi ne, %convert_element_type3A_252, %cond3A_253 : i32
        scf.if %cond3A_254 {
          %dma_wait3A_261 = arith.constant 0 : i32
          %dma_wait3A_262 = arith.constant 0 : i32
          %dma_wait3A_263 = tpu.memref_slice %arg16[%dma_wait3A_261, %dma_wait3A_262] : memref<1152x128xf32, #tpu.memory_space<vmem_shared>> -> memref<1152x128xf32, #tpu.memory_space<vmem_shared>>
          tpu.wait_indirect_dma semaphore(%arg21 : memref<!tpu.dma_semaphore, #tpu.memory_space<semaphore_mem>>) src(%arg10 : memref<80x128xf32, #tpu.memory_space<vmem>>) dst(%dma_wait3A_263 : memref<1152x128xf32, #tpu.memory_space<vmem_shared>>)
          %dma_wait3A_264 = arith.constant 0 : i32
          %dma_wait3A_265 = arith.constant 0 : i32
          %dma_wait3A_266 = tpu.memref_slice %arg17[%dma_wait3A_264, %dma_wait3A_265] : memref<1152x128xf32, #tpu.memory_space<vmem_shared>> -> memref<1152x128xf32, #tpu.memory_space<vmem_shared>>
          tpu.wait_indirect_dma semaphore(%arg23 : memref<!tpu.dma_semaphore, #tpu.memory_space<semaphore_mem>>) src(%arg15 : memref<80x128xf32, #tpu.memory_space<vmem>>) dst(%dma_wait3A_266 : memref<1152x128xf32, #tpu.memory_space<vmem_shared>>)
        } else {
        }
        %add3A_255 = arith.constant 1 : i32
        %add3A_256 = arith.addi %while3A_84, %add3A_255 : i32
        %lt3A_257 = arith.cmpi slt, %add3A_256, %add3A_12 : i32
        %convert_element_type3A_258 = arith.extui %lt3A_257 : i1 to i32
        %cond3A_259 = arith.constant 0 : i32
        %cond3A_260 = arith.cmpi ne, %convert_element_type3A_258, %cond3A_259 : i32
        scf.if %cond3A_260 {
          %add3A_261 = arith.constant 80 : i32
          %add3A_262 = arith.addi %add3A_129, %add3A_261 : i32
          %dma_start3A_263 = arith.constant 0 : i32
          %dma_start3A_264 = tpu.memref_slice %arg2[%add3A_262, %dma_start3A_263] : memref<100000x128xf32, #tpu.memory_space<hbm>> -> memref<80x128xf32, #tpu.memory_space<hbm>>
          %dma_start3A_265 = arith.constant 0 : i32
          %dma_start3A_266 = tpu.memref_slice %arg2[%add3A_262, %dma_start3A_265] : memref<100000x128xf32, #tpu.memory_space<hbm>> -> memref<80x128xf32, #tpu.memory_space<hbm>>
          tpu.enqueue_dma source(%dma_start3A_266 : memref<80x128xf32, #tpu.memory_space<hbm>>) target(%arg10 : memref<80x128xf32, #tpu.memory_space<vmem>>) target_semaphore(%arg19 : memref<!tpu.dma_semaphore, #tpu.memory_space<semaphore_mem>>)
        } else {
        }
      } else {
      }
      %jit3A_106 = arith.constant 2 : i32
      %eq3A_107 = arith.constant 0 : i32
      %eq3A_108 = arith.cmpi eq, %jit3A_106, %eq3A_107 : i32
      %jit3A_109 = arith.constant 1 : i32
      %select_n3A_110 = arith.select %eq3A_108, %jit3A_109, %jit3A_106 : i32
      %rem3A_111 = arith.remsi %while3A_84, %select_n3A_110 : i32
      %ne3A_112 = arith.constant 0 : i32
      %ne3A_113 = arith.cmpi ne, %rem3A_111, %ne3A_112 : i32
      %lt3A_114 = arith.constant 0 : i32
      %lt3A_115 = arith.cmpi slt, %rem3A_111, %lt3A_114 : i32
      %lt3A_116 = arith.constant 0 : i32
      %lt3A_117 = arith.cmpi slt, %select_n3A_110, %lt3A_116 : i32
      %ne3A_118 = arith.xori %lt3A_115, %lt3A_117 : i1
      %and3A_119 = arith.andi %ne3A_118, %ne3A_113 : i1
      %add3A_120 = arith.addi %rem3A_111, %select_n3A_110 : i32
      %select_n3A_121 = arith.select %and3A_119, %add3A_120, %rem3A_111 : i32
      %eq3A_122 = arith.constant 1 : i32
      %eq3A_123 = arith.cmpi eq, %select_n3A_121, %eq3A_122 : i32
      %convert_element_type3A_124 = arith.extui %eq3A_123 : i1 to i32
      %cond3A_125 = arith.constant 0 : i32
      %cond3A_126 = arith.cmpi ne, %convert_element_type3A_124, %cond3A_125 : i32
      scf.if %cond3A_126 {
        %mul3A_127 = arith.constant 80 : i32
        %mul3A_128 = arith.muli %while3A_84, %mul3A_127 : i32
        %add3A_129 = arith.addi %mul3A_18, %mul3A_128 : i32
        %dma_wait3A = arith.constant 0 : i32
        %dma_wait3A_130 = tpu.memref_slice %arg2[%add3A_129, %dma_wait3A] : memref<100000x128xf32, #tpu.memory_space<hbm>> -> memref<80x128xf32, #tpu.memory_space<hbm>>
        %dma_wait3A_131 = arith.constant 0 : i32
        %dma_wait3A_132 = tpu.memref_slice %arg2[%add3A_129, %dma_wait3A_131] : memref<100000x128xf32, #tpu.memory_space<hbm>> -> memref<80x128xf32, #tpu.memory_space<hbm>>
        tpu.wait_dma2 semaphore(%arg19 : memref<!tpu.dma_semaphore, #tpu.memory_space<semaphore_mem>>) src(%dma_wait3A_132 : memref<80x128xf32, #tpu.memory_space<hbm>>) dst(%arg10 : memref<80x128xf32, #tpu.memory_space<vmem>>)
        %mul3A_133 = arith.constant 80 : i32
        %mul3A_134 = arith.muli %while3A_84, %mul3A_133 : i32
        %add3A_135 = arith.constant 0 : i32
        %add3A_136 = arith.addi %mul3A_134, %add3A_135 : i32
        %get3A = arith.index_cast %add3A_136 : i32 to index
        %get3A_137 = tpu.vector_load %arg12[%get3A] {strides = array<i32>} : memref<3200xi32, #tpu.memory_space<vmem>>, vector<16xi32>,
        %get3A_138 = vector.shape_cast %get3A_137 : vector<16xi32> to vector<16xi32>
        %get3A_139 = arith.index_cast %add3A_136 : i32 to index
        %get3A_140 = tpu.vector_load %arg11[%get3A_139] {strides = array<i32>} : memref<3200xi32, #tpu.memory_space<vmem>>, vector<16xi32>,
        %get3A_141 = vector.shape_cast %get3A_140 : vector<16xi32> to vector<16xi32>
        %eq3A_142 = arith.constant 100 : i32
        %eq3A_143 = vector.broadcast %eq3A_142 : i32 to vector<16xi32>
        %eq3A_144 = arith.cmpi eq, %get3A_141, %eq3A_143 : vector<16xi32>
        %jit3A_145 = arith.constant 512 : i32
        %jit3A_146 = arith.constant 0 : i32
        %broadcast_in_dim3A = vector.broadcast %jit3A_145 : i32 to vector<16xi32>
        %broadcast_in_dim3A_147 = vector.broadcast %jit3A_146 : i32 to vector<16xi32>
        %select_n3A_148 = arith.select %eq3A_144, %broadcast_in_dim3A, %broadcast_in_dim3A_147 : vector<16xi1>, vector<16xi32>
        %add3A_149 = arith.addi %get3A_138, %select_n3A_148 : vector<16xi32>
        %swap3A = arith.constant 0 : index
        %swap3A_150 = tpu.vector_load %arg14[%swap3A] {strides = array<i32>} : memref<80xi32, #tpu.memory_space<vmem>>, vector<16xi32>,
        %swap3A_151 = vector.shape_cast %swap3A_150 : vector<16xi32> to vector<16xi32>
        %swap3A_152 = vector.shape_cast %add3A_149 : vector<16xi32> to vector<16xi32>
        tpu.vector_store %arg14[%swap3A], %swap3A_152 {strides = array<i32>} : memref<80xi32, #tpu.memory_space<vmem>>, vector<16xi32>,
        %mul3A_153 = arith.constant 80 : i32
        %mul3A_154 = arith.muli %while3A_84, %mul3A_153 : i32
        %add3A_155 = arith.constant 16 : i32
        %add3A_156 = arith.addi %mul3A_154, %add3A_155 : i32
        %get3A_157 = arith.index_cast %add3A_156 : i32 to index
        %get3A_158 = tpu.vector_load %arg12[%get3A_157] {strides = array<i32>} : memref<3200xi32, #tpu.memory_space<vmem>>, vector<16xi32>,
        %get3A_159 = vector.shape_cast %get3A_158 : vector<16xi32> to vector<16xi32>
        %get3A_160 = arith.index_cast %add3A_156 : i32 to index
        %get3A_161 = tpu.vector_load %arg11[%get3A_160] {strides = array<i32>} : memref<3200xi32, #tpu.memory_space<vmem>>, vector<16xi32>,
        %get3A_162 = vector.shape_cast %get3A_161 : vector<16xi32> to vector<16xi32>
        %eq3A_163 = arith.constant 100 : i32
        %eq3A_164 = vector.broadcast %eq3A_163 : i32 to vector<16xi32>
        %eq3A_165 = arith.cmpi eq, %get3A_162, %eq3A_164 : vector<16xi32>
        %jit3A_166 = arith.constant 512 : i32
        %jit3A_167 = arith.constant 0 : i32
        %broadcast_in_dim3A_168 = vector.broadcast %jit3A_166 : i32 to vector<16xi32>
        %broadcast_in_dim3A_169 = vector.broadcast %jit3A_167 : i32 to vector<16xi32>
        %select_n3A_170 = arith.select %eq3A_165, %broadcast_in_dim3A_168, %broadcast_in_dim3A_169 : vector<16xi1>, vector<16xi32>
        %add3A_171 = arith.addi %get3A_159, %select_n3A_170 : vector<16xi32>
        %swap3A_172 = arith.constant 16 : index
        %swap3A_173 = tpu.vector_load %arg14[%swap3A_172] {strides = array<i32>} : memref<80xi32, #tpu.memory_space<vmem>>, vector<16xi32>,
        %swap3A_174 = vector.shape_cast %swap3A_173 : vector<16xi32> to vector<16xi32>
        %swap3A_175 = vector.shape_cast %add3A_171 : vector<16xi32> to vector<16xi32>
        tpu.vector_store %arg14[%swap3A_172], %swap3A_175 {strides = array<i32>} : memref<80xi32, #tpu.memory_space<vmem>>, vector<16xi32>,
        %mul3A_176 = arith.constant 80 : i32
        %mul3A_177 = arith.muli %while3A_84, %mul3A_176 : i32
        %add3A_178 = arith.constant 32 : i32
        %add3A_179 = arith.addi %mul3A_177, %add3A_178 : i32
        %get3A_180 = arith.index_cast %add3A_179 : i32 to index
        %get3A_181 = tpu.vector_load %arg12[%get3A_180] {strides = array<i32>} : memref<3200xi32, #tpu.memory_space<vmem>>, vector<16xi32>,
        %get3A_182 = vector.shape_cast %get3A_181 : vector<16xi32> to vector<16xi32>
        %get3A_183 = arith.index_cast %add3A_179 : i32 to index
        %get3A_184 = tpu.vector_load %arg11[%get3A_183] {strides = array<i32>} : memref<3200xi32, #tpu.memory_space<vmem>>, vector<16xi32>,
        %get3A_185 = vector.shape_cast %get3A_184 : vector<16xi32> to vector<16xi32>
        %eq3A_186 = arith.constant 100 : i32
        %eq3A_187 = vector.broadcast %eq3A_186 : i32 to vector<16xi32>
        %eq3A_188 = arith.cmpi eq, %get3A_185, %eq3A_187 : vector<16xi32>
        %jit3A_189 = arith.constant 512 : i32
        %jit3A_190 = arith.constant 0 : i32
        %broadcast_in_dim3A_191 = vector.broadcast %jit3A_189 : i32 to vector<16xi32>
        %broadcast_in_dim3A_192 = vector.broadcast %jit3A_190 : i32 to vector<16xi32>
        %select_n3A_193 = arith.select %eq3A_188, %broadcast_in_dim3A_191, %broadcast_in_dim3A_192 : vector<16xi1>, vector<16xi32>
        %add3A_194 = arith.addi %get3A_182, %select_n3A_193 : vector<16xi32>
        %swap3A_195 = arith.constant 32 : index
        %swap3A_196 = tpu.vector_load %arg14[%swap3A_195] {strides = array<i32>} : memref<80xi32, #tpu.memory_space<vmem>>, vector<16xi32>,
        %swap3A_197 = vector.shape_cast %swap3A_196 : vector<16xi32> to vector<16xi32>
        %swap3A_198 = vector.shape_cast %add3A_194 : vector<16xi32> to vector<16xi32>
        tpu.vector_store %arg14[%swap3A_195], %swap3A_198 {strides = array<i32>} : memref<80xi32, #tpu.memory_space<vmem>>, vector<16xi32>,
        %mul3A_199 = arith.constant 80 : i32
        %mul3A_200 = arith.muli %while3A_84, %mul3A_199 : i32
        %add3A_201 = arith.constant 48 : i32
        %add3A_202 = arith.addi %mul3A_200, %add3A_201 : i32
        %get3A_203 = arith.index_cast %add3A_202 : i32 to index
        %get3A_204 = tpu.vector_load %arg12[%get3A_203] {strides = array<i32>} : memref<3200xi32, #tpu.memory_space<vmem>>, vector<16xi32>,
        %get3A_205 = vector.shape_cast %get3A_204 : vector<16xi32> to vector<16xi32>
        %get3A_206 = arith.index_cast %add3A_202 : i32 to index
        %get3A_207 = tpu.vector_load %arg11[%get3A_206] {strides = array<i32>} : memref<3200xi32, #tpu.memory_space<vmem>>, vector<16xi32>,
        %get3A_208 = vector.shape_cast %get3A_207 : vector<16xi32> to vector<16xi32>
        %eq3A_209 = arith.constant 100 : i32
        %eq3A_210 = vector.broadcast %eq3A_209 : i32 to vector<16xi32>
        %eq3A_211 = arith.cmpi eq, %get3A_208, %eq3A_210 : vector<16xi32>
        %jit3A_212 = arith.constant 512 : i32
        %jit3A_213 = arith.constant 0 : i32
        %broadcast_in_dim3A_214 = vector.broadcast %jit3A_212 : i32 to vector<16xi32>
        %broadcast_in_dim3A_215 = vector.broadcast %jit3A_213 : i32 to vector<16xi32>
        %select_n3A_216 = arith.select %eq3A_211, %broadcast_in_dim3A_214, %broadcast_in_dim3A_215 : vector<16xi1>, vector<16xi32>
        %add3A_217 = arith.addi %get3A_205, %select_n3A_216 : vector<16xi32>
        %swap3A_218 = arith.constant 48 : index
        %swap3A_219 = tpu.vector_load %arg14[%swap3A_218] {strides = array<i32>} : memref<80xi32, #tpu.memory_space<vmem>>, vector<16xi32>,
        %swap3A_220 = vector.shape_cast %swap3A_219 : vector<16xi32> to vector<16xi32>
        %swap3A_221 = vector.shape_cast %add3A_217 : vector<16xi32> to vector<16xi32>
        tpu.vector_store %arg14[%swap3A_218], %swap3A_221 {strides = array<i32>} : memref<80xi32, #tpu.memory_space<vmem>>, vector<16xi32>,
        %mul3A_222 = arith.constant 80 : i32
        %mul3A_223 = arith.muli %while3A_84, %mul3A_222 : i32
        %add3A_224 = arith.constant 64 : i32
        %add3A_225 = arith.addi %mul3A_223, %add3A_224 : i32
        %get3A_226 = arith.index_cast %add3A_225 : i32 to index
        %get3A_227 = tpu.vector_load %arg12[%get3A_226] {strides = array<i32>} : memref<3200xi32, #tpu.memory_space<vmem>>, vector<16xi32>,
        %get3A_228 = vector.shape_cast %get3A_227 : vector<16xi32> to vector<16xi32>
        %get3A_229 = arith.index_cast %add3A_225 : i32 to index
        %get3A_230 = tpu.vector_load %arg11[%get3A_229] {strides = array<i32>} : memref<3200xi32, #tpu.memory_space<vmem>>, vector<16xi32>,
        %get3A_231 = vector.shape_cast %get3A_230 : vector<16xi32> to vector<16xi32>
        %eq3A_232 = arith.constant 100 : i32
        %eq3A_233 = vector.broadcast %eq3A_232 : i32 to vector<16xi32>
        %eq3A_234 = arith.cmpi eq, %get3A_231, %eq3A_233 : vector<16xi32>
        %jit3A_235 = arith.constant 512 : i32
        %jit3A_236 = arith.constant 0 : i32
        %broadcast_in_dim3A_237 = vector.broadcast %jit3A_235 : i32 to vector<16xi32>
        %broadcast_in_dim3A_238 = vector.broadcast %jit3A_236 : i32 to vector<16xi32>
        %select_n3A_239 = arith.select %eq3A_234, %broadcast_in_dim3A_237, %broadcast_in_dim3A_238 : vector<16xi1>, vector<16xi32>
        %add3A_240 = arith.addi %get3A_228, %select_n3A_239 : vector<16xi32>
        %swap3A_241 = arith.constant 64 : index
        %swap3A_242 = tpu.vector_load %arg14[%swap3A_241] {strides = array<i32>} : memref<80xi32, #tpu.memory_space<vmem>>, vector<16xi32>,
        %swap3A_243 = vector.shape_cast %swap3A_242 : vector<16xi32> to vector<16xi32>
        %swap3A_244 = vector.shape_cast %add3A_240 : vector<16xi32> to vector<16xi32>
        tpu.vector_store %arg14[%swap3A_241], %swap3A_244 {strides = array<i32>} : memref<80xi32, #tpu.memory_space<vmem>>, vector<16xi32>,
        %dma_start3A_245 = arith.constant 0 : i32
        %dma_start3A_246 = arith.constant 0 : i32
        %dma_start3A_247 = tpu.memref_slice %arg16[%dma_start3A_245, %dma_start3A_246] : memref<1152x128xf32, #tpu.memory_space<vmem_shared>> -> memref<1152x128xf32, #tpu.memory_space<vmem_shared>>
        tpu.enqueue_indirect_dma source(%arg10 : memref<80x128xf32, #tpu.memory_space<vmem>>) target(%dma_start3A_247 : memref<1152x128xf32, #tpu.memory_space<vmem_shared>>) offsets(%arg14 : memref<80xi32, #tpu.memory_space<vmem>>) semaphore(%arg21 : memref<!tpu.dma_semaphore, #tpu.memory_space<semaphore_mem>>) {add = true}
        %dma_start3A_248 = arith.constant 0 : i32
        %dma_start3A_249 = arith.constant 0 : i32
        %dma_start3A_250 = tpu.memref_slice %arg17[%dma_start3A_248, %dma_start3A_249] : memref<1152x128xf32, #tpu.memory_space<vmem_shared>> -> memref<1152x128xf32, #tpu.memory_space<vmem_shared>>
        tpu.enqueue_indirect_dma source(%arg15 : memref<80x128xf32, #tpu.memory_space<vmem>>) target(%dma_start3A_250 : memref<1152x128xf32, #tpu.memory_space<vmem_shared>>) offsets(%arg14 : memref<80xi32, #tpu.memory_space<vmem>>) semaphore(%arg23 : memref<!tpu.dma_semaphore, #tpu.memory_space<semaphore_mem>>) {add = true}
        %ge3A = arith.constant 1 : i32
        %ge3A_251 = arith.cmpi sge, %while3A_84, %ge3A : i32
        %convert_element_type3A_252 = arith.extui %ge3A_251 : i1 to i32
        %cond3A_253 = arith.constant 0 : i32
        %cond3A_254 = arith.cmpi ne, %convert_element_type3A_252, %cond3A_253 : i32
        scf.if %cond3A_254 {
          %dma_wait3A_261 = arith.constant 0 : i32
          %dma_wait3A_262 = arith.constant 0 : i32
          %dma_wait3A_263 = tpu.memref_slice %arg16[%dma_wait3A_261, %dma_wait3A_262] : memref<1152x128xf32, #tpu.memory_space<vmem_shared>> -> memref<1152x128xf32, #tpu.memory_space<vmem_shared>>
          tpu.wait_indirect_dma semaphore(%arg20 : memref<!tpu.dma_semaphore, #tpu.memory_space<semaphore_mem>>) src(%arg9 : memref<80x128xf32, #tpu.memory_space<vmem>>) dst(%dma_wait3A_263 : memref<1152x128xf32, #tpu.memory_space<vmem_shared>>)
          %dma_wait3A_264 = arith.constant 0 : i32
          %dma_wait3A_265 = arith.constant 0 : i32
          %dma_wait3A_266 = tpu.memref_slice %arg17[%dma_wait3A_264, %dma_wait3A_265] : memref<1152x128xf32, #tpu.memory_space<vmem_shared>> -> memref<1152x128xf32, #tpu.memory_space<vmem_shared>>
          tpu.wait_indirect_dma semaphore(%arg22 : memref<!tpu.dma_semaphore, #tpu.memory_space<semaphore_mem>>) src(%arg15 : memref<80x128xf32, #tpu.memory_space<vmem>>) dst(%dma_wait3A_266 : memref<1152x128xf32, #tpu.memory_space<vmem_shared>>)
        } else {
        }
        %add3A_255 = arith.constant 1 : i32
        %add3A_256 = arith.addi %while3A_84, %add3A_255 : i32
        %lt3A_257 = arith.cmpi slt, %add3A_256, %add3A_12 : i32
        %convert_element_type3A_258 = arith.extui %lt3A_257 : i1 to i32
        %cond3A_259 = arith.constant 0 : i32
        %cond3A_260 = arith.cmpi ne, %convert_element_type3A_258, %cond3A_259 : i32
        scf.if %cond3A_260 {
          %add3A_261 = arith.constant 80 : i32
          %add3A_262 = arith.addi %add3A_129, %add3A_261 : i32
          %dma_start3A_263 = arith.constant 0 : i32
          %dma_start3A_264 = tpu.memref_slice %arg2[%add3A_262, %dma_start3A_263] : memref<100000x128xf32, #tpu.memory_space<hbm>> -> memref<80x128xf32, #tpu.memory_space<hbm>>
          %dma_start3A_265 = arith.constant 0 : i32
          %dma_start3A_266 = tpu.memref_slice %arg2[%add3A_262, %dma_start3A_265] : memref<100000x128xf32, #tpu.memory_space<hbm>> -> memref<80x128xf32, #tpu.memory_space<hbm>>
          tpu.enqueue_dma source(%dma_start3A_266 : memref<80x128xf32, #tpu.memory_space<hbm>>) target(%arg9 : memref<80x128xf32, #tpu.memory_space<vmem>>) target_semaphore(%arg18 : memref<!tpu.dma_semaphore, #tpu.memory_space<semaphore_mem>>)
        } else {
        }
      } else {
      }
    }
    %sub3A = arith.constant 1 : i32
    %sub3A_33 = arith.subi %add3A_12, %sub3A : i32
    %jit3A_34 = arith.constant 2 : i32
    %eq3A_35 = arith.constant 0 : i32
    %eq3A_36 = arith.cmpi eq, %jit3A_34, %eq3A_35 : i32
    %jit3A_37 = arith.constant 1 : i32
    %select_n3A_38 = arith.select %eq3A_36, %jit3A_37, %jit3A_34 : i32
    %rem3A = arith.remsi %sub3A_33, %select_n3A_38 : i32
    %ne3A = arith.constant 0 : i32
    %ne3A_39 = arith.cmpi ne, %rem3A, %ne3A : i32
    %lt3A_40 = arith.constant 0 : i32
    %lt3A_41 = arith.cmpi slt, %rem3A, %lt3A_40 : i32
    %lt3A_42 = arith.constant 0 : i32
    %lt3A_43 = arith.cmpi slt, %select_n3A_38, %lt3A_42 : i32
    %ne3A_44 = arith.xori %lt3A_41, %lt3A_43 : i1
    %and3A = arith.andi %ne3A_44, %ne3A_39 : i1
    %add3A_45 = arith.addi %rem3A, %select_n3A_38 : i32
    %select_n3A_46 = arith.select %and3A, %add3A_45, %rem3A : i32
    %eq3A_47 = arith.constant 0 : i32
    %eq3A_48 = arith.cmpi eq, %select_n3A_46, %eq3A_47 : i32
    %convert_element_type3A_49 = arith.extui %eq3A_48 : i1 to i32
    %cond3A_50 = arith.constant 0 : i32
    %cond3A_51 = arith.cmpi ne, %convert_element_type3A_49, %cond3A_50 : i32
    scf.if %cond3A_51 {
      %dma_wait3A = arith.constant 0 : i32
      %dma_wait3A_84 = arith.constant 0 : i32
      %dma_wait3A_85 = tpu.memref_slice %arg16[%dma_wait3A, %dma_wait3A_84] : memref<1152x128xf32, #tpu.memory_space<vmem_shared>> -> memref<1152x128xf32, #tpu.memory_space<vmem_shared>>
      tpu.wait_indirect_dma semaphore(%arg20 : memref<!tpu.dma_semaphore, #tpu.memory_space<semaphore_mem>>) src(%arg9 : memref<80x128xf32, #tpu.memory_space<vmem>>) dst(%dma_wait3A_85 : memref<1152x128xf32, #tpu.memory_space<vmem_shared>>)
      %dma_wait3A_86 = arith.constant 0 : i32
      %dma_wait3A_87 = arith.constant 0 : i32
      %dma_wait3A_88 = tpu.memref_slice %arg17[%dma_wait3A_86, %dma_wait3A_87] : memref<1152x128xf32, #tpu.memory_space<vmem_shared>> -> memref<1152x128xf32, #tpu.memory_space<vmem_shared>>
      tpu.wait_indirect_dma semaphore(%arg22 : memref<!tpu.dma_semaphore, #tpu.memory_space<semaphore_mem>>) src(%arg15 : memref<80x128xf32, #tpu.memory_space<vmem>>) dst(%dma_wait3A_88 : memref<1152x128xf32, #tpu.memory_space<vmem_shared>>)
    } else {
    }
    %sub3A_52 = arith.constant 1 : i32
    %sub3A_53 = arith.subi %add3A_12, %sub3A_52 : i32
    %jit3A_54 = arith.constant 2 : i32
    %eq3A_55 = arith.constant 0 : i32
    %eq3A_56 = arith.cmpi eq, %jit3A_54, %eq3A_55 : i32
    %jit3A_57 = arith.constant 1 : i32
    %select_n3A_58 = arith.select %eq3A_56, %jit3A_57, %jit3A_54 : i32
    %rem3A_59 = arith.remsi %sub3A_53, %select_n3A_58 : i32
    %ne3A_60 = arith.constant 0 : i32
    %ne3A_61 = arith.cmpi ne, %rem3A_59, %ne3A_60 : i32
    %lt3A_62 = arith.constant 0 : i32
    %lt3A_63 = arith.cmpi slt, %rem3A_59, %lt3A_62 : i32
    %lt3A_64 = arith.constant 0 : i32
    %lt3A_65 = arith.cmpi slt, %select_n3A_58, %lt3A_64 : i32
    %ne3A_66 = arith.xori %lt3A_63, %lt3A_65 : i1
    %and3A_67 = arith.andi %ne3A_66, %ne3A_61 : i1
    %add3A_68 = arith.addi %rem3A_59, %select_n3A_58 : i32
    %select_n3A_69 = arith.select %and3A_67, %add3A_68, %rem3A_59 : i32
    %eq3A_70 = arith.constant 1 : i32
    %eq3A_71 = arith.cmpi eq, %select_n3A_69, %eq3A_70 : i32
    %convert_element_type3A_72 = arith.extui %eq3A_71 : i1 to i32
    %cond3A_73 = arith.constant 0 : i32
    %cond3A_74 = arith.cmpi ne, %convert_element_type3A_72, %cond3A_73 : i32
    scf.if %cond3A_74 {
      %dma_wait3A = arith.constant 0 : i32
      %dma_wait3A_84 = arith.constant 0 : i32
      %dma_wait3A_85 = tpu.memref_slice %arg16[%dma_wait3A, %dma_wait3A_84] : memref<1152x128xf32, #tpu.memory_space<vmem_shared>> -> memref<1152x128xf32, #tpu.memory_space<vmem_shared>>
      tpu.wait_indirect_dma semaphore(%arg21 : memref<!tpu.dma_semaphore, #tpu.memory_space<semaphore_mem>>) src(%arg10 : memref<80x128xf32, #tpu.memory_space<vmem>>) dst(%dma_wait3A_85 : memref<1152x128xf32, #tpu.memory_space<vmem_shared>>)
      %dma_wait3A_86 = arith.constant 0 : i32
      %dma_wait3A_87 = arith.constant 0 : i32
      %dma_wait3A_88 = tpu.memref_slice %arg17[%dma_wait3A_86, %dma_wait3A_87] : memref<1152x128xf32, #tpu.memory_space<vmem_shared>> -> memref<1152x128xf32, #tpu.memory_space<vmem_shared>>
      tpu.wait_indirect_dma semaphore(%arg23 : memref<!tpu.dma_semaphore, #tpu.memory_space<semaphore_mem>>) src(%arg15 : memref<80x128xf32, #tpu.memory_space<vmem>>) dst(%dma_wait3A_88 : memref<1152x128xf32, #tpu.memory_space<vmem_shared>>)
    } else {
    }
    %barrier3A_75 = arith.constant 0 : index
    tpu.barrier barrier_id(%barrier3A_75)
    %mul3A_76 = arith.constant 72 : i32
    %mul3A_77 = arith.muli %arg1, %mul3A_76 : i32
    %mul3A_78 = arith.constant 72 : i32
    %mul3A_79 = arith.muli %arg1, %mul3A_78 : i32
    "tpu.region"() ({
      %run_scoped3A = tpu.sem_alloc : memref<!tpu.dma_semaphore, #tpu.memory_space<semaphore_mem>>
      %dma_start3A_84 = arith.constant 0 : i32
      %dma_start3A_85 = tpu.memref_slice %arg7[%arg0, %mul3A_79, %dma_start3A_84] : memref<2x1152x128xf32, #tpu.memory_space<hbm>> -> memref<1x72x128xf32, #tpu.memory_space<hbm>>
      %dma_start3A_86 = tpu.memref_squeeze %dma_start3A_85 : memref<1x72x128xf32, #tpu.memory_space<hbm>> -> memref<72x128xf32, #tpu.memory_space<hbm>>
      %dma_start3A_87 = arith.constant 0 : i32
      %dma_start3A_88 = tpu.memref_slice %arg16[%mul3A_77, %dma_start3A_87] : memref<1152x128xf32, #tpu.memory_space<vmem_shared>> -> memref<72x128xf32, #tpu.memory_space<vmem_shared>>
      tpu.enqueue_dma source(%dma_start3A_88 : memref<72x128xf32, #tpu.memory_space<vmem_shared>>) target(%dma_start3A_86 : memref<72x128xf32, #tpu.memory_space<hbm>>) target_semaphore(%run_scoped3A : memref<!tpu.dma_semaphore, #tpu.memory_space<semaphore_mem>>)
      %dma_wait3A = arith.constant 0 : i32
      %dma_wait3A_89 = tpu.memref_slice %arg7[%arg0, %mul3A_79, %dma_wait3A] : memref<2x1152x128xf32, #tpu.memory_space<hbm>> -> memref<1x72x128xf32, #tpu.memory_space<hbm>>
      %dma_wait3A_90 = tpu.memref_squeeze %dma_wait3A_89 : memref<1x72x128xf32, #tpu.memory_space<hbm>> -> memref<72x128xf32, #tpu.memory_space<hbm>>
      %dma_wait3A_91 = arith.constant 0 : i32
      %dma_wait3A_92 = tpu.memref_slice %arg16[%mul3A_77, %dma_wait3A_91] : memref<1152x128xf32, #tpu.memory_space<vmem_shared>> -> memref<72x128xf32, #tpu.memory_space<vmem_shared>>
      tpu.wait_dma2 semaphore(%run_scoped3A : memref<!tpu.dma_semaphore, #tpu.memory_space<semaphore_mem>>) src(%dma_wait3A_92 : memref<72x128xf32, #tpu.memory_space<vmem_shared>>) dst(%dma_wait3A_90 : memref<72x128xf32, #tpu.memory_space<hbm>>)
      tpu.yield
    }) : () -> ()
    %mul3A_80 = arith.constant 72 : i32
    %mul3A_81 = arith.muli %arg1, %mul3A_80 : i32
    %mul3A_82 = arith.constant 72 : i32
    %mul3A_83 = arith.muli %arg1, %mul3A_82 : i32
    "tpu.region"() ({
      %run_scoped3A = tpu.sem_alloc : memref<!tpu.dma_semaphore, #tpu.memory_space<semaphore_mem>>
      %dma_start3A_84 = arith.constant 0 : i32
      %dma_start3A_85 = tpu.memref_slice %arg8[%arg0, %mul3A_83, %dma_start3A_84] : memref<2x1152x128xf32, #tpu.memory_space<hbm>> -> memref<1x72x128xf32, #tpu.memory_space<hbm>>
      %dma_start3A_86 = tpu.memref_squeeze %dma_start3A_85 : memref<1x72x128xf32, #tpu.memory_space<hbm>> -> memref<72x128xf32, #tpu.memory_space<hbm>>
      %dma_start3A_87 = arith.constant 0 : i32
      %dma_start3A_88 = tpu.memref_slice %arg17[%mul3A_81, %dma_start3A_87] : memref<1152x128xf32, #tpu.memory_space<vmem_shared>> -> memref<72x128xf32, #tpu.memory_space<vmem_shared>>
      tpu.enqueue_dma source(%dma_start3A_88 : memref<72x128xf32, #tpu.memory_space<vmem_shared>>) target(%dma_start3A_86 : memref<72x128xf32, #tpu.memory_space<hbm>>) target_semaphore(%run_scoped3A : memref<!tpu.dma_semaphore, #tpu.memory_space<semaphore_mem>>)
      %dma_wait3A = arith.constant 0 : i32
      %dma_wait3A_89 = tpu.memref_slice %arg8[%arg0, %mul3A_83, %dma_wait3A] : memref<2x1152x128xf32, #tpu.memory_space<hbm>> -> memref<1x72x128xf32, #tpu.memory_space<hbm>>
      %dma_wait3A_90 = tpu.memref_squeeze %dma_wait3A_89 : memref<1x72x128xf32, #tpu.memory_space<hbm>> -> memref<72x128xf32, #tpu.memory_space<hbm>>
      %dma_wait3A_91 = arith.constant 0 : i32
      %dma_wait3A_92 = tpu.memref_slice %arg17[%mul3A_81, %dma_wait3A_91] : memref<1152x128xf32, #tpu.memory_space<vmem_shared>> -> memref<72x128xf32, #tpu.memory_space<vmem_shared>>
      tpu.wait_dma2 semaphore(%run_scoped3A : memref<!tpu.dma_semaphore, #tpu.memory_space<semaphore_mem>>) src(%dma_wait3A_92 : memref<72x128xf32, #tpu.memory_space<vmem_shared>>) dst(%dma_wait3A_90 : memref<72x128xf32, #tpu.memory_space<hbm>>)
      tpu.yield
    }) : () -> ()
    return
  }
}

</mosaic_0001>

<sc_bundles>
// kernel: _pool.3.cloned.1.call-start
scs
__scs_entry_jumppad:
0x0: {  	(pc) =	sbr.rel $0x88, $3  }
0x1: {  	(tag) =	ssettag $0x0;
	lr =	simm.s32 $0x1  }
0x2: {  	[smem:$0x3F9E] =	sst lr;
	_ =	strace $0xD0000000  }
0x3: {  	_ = 	snop  }
0x4: {  	_ = 	snop  }
0x5: {  	_ = 	snop  }
0x6: {  	_ = 	snop  }
0x7: {  	_ = 	snop  }
__scs_overlays_trampoline_lowered:
0x8: {  	[smem:$0x3FAD] =	sst s0  }
0x9: {  	[smem:$0x3FAE] =	sst s1  }
0xa: {  	[smem:$0x3FAF] =	sst s2  }
0xb: {  	[smem:$0x3FB0] =	sst s3  }
0xc: {  	[smem:$0x3FB1] =	sst s4  }
0xd: {  	[smem:$0x3FB2] =	sst s5  }
0xe: {  	[smem:$0x3FB3] =	sst s6  }
0xf: {  	[smem:$0x3FB4] =	sst s7  }
0x10: {  	[smem:$0x3FB5] =	sst s8  }
0x11: {  	[smem:$0x3FB6] =	sst s9;
	s0 =	simm.s32 @!p0 $0x0  }
0x12: {  	s1 =	sld [smem:$0x3F9C];
	s0 =	simm.s32 @p0 $0x1  }
0x13: {  	[smem:$0x3FB7] =	sst s0;
	s0 =	simm.s32 @!p1 $0x0  }
0x14: {  	s2 =	sld [smem:$0x3F9B];
	s0 =	simm.s32 @p1 $0x1  }
0x15: {  	[smem:$0x3FB8] =	sst s0;
	s0 =	simm.s32 @!p2 $0x0  }
0x16: {  	s3 =	sld [smem:$0x3FDB];
	s0 =	simm.s32 @p2 $0x1  }
0x17: {  	s4 =	simm.s32 $0x1BF5;
	[smem:$0x3FBA] =	sst s0  }
0x18: {  	s0 =	sld [smem:$0x3F9D];
	_ =	swait.ge [sflag:s4], $0x0  }
0x19: {  	s7 =	sld [smem:$0x3F9E]  }
0x1a: {  	s8 =	sadd.s32 $0xFFFFE003, lr  }
0x1b: {  	s9 =	sadd.s32 $0xFFFFFEF7, lr;
	s5 =	simm.s32 $0xFFFFFFFF;
	p2 =	slt.u32 s8, $0xFFFFF086  }
0x1c: {  	p1 =	slt.u32 s9, $0xF7A;
	s5 =	simm.s32 @!p2 $0x0  }
0x1d: {  	s5 =	simm.s32 @p1 $0x1;
	p0 =	seq.s32 s7, s2  }
0x1e: {  	s7 =	smul.u32 @!p0 $0xF7A, s2;
	p2 =	seq.s32 @!p0 s5, $0x0  }
0x1f: {  	s9 =	smul.u32 $0xF7A, s1;
	s8 =	simm.s32 @!p0 $0x1BF5;
	p2 =	por !p2, p0  }
0x20: {  	[sflag:s8] =	ssyncset.s32 @!p0 $0xFFFFF086;
	s6 =	sadd.s32 @!p0 s3, s7;
	s7 =	simm.s32 @!p0 $0x108  }
0x21: {  	s3 =	sadd.s32 s3, s9;
	s6 =	sadd.s32 @!p0 $0x88, s6;
	s7 =	simm.s32 @p2 $0x1082  }
0x22: {  	[simem:s7], [sflag:s8] =	dma.local @!p0 [hbm:s6], $0xF7A  }
0x23: {  	s9 =	sor.u32 $0xD0000000, s2;
	s6 =	simm.s32 $0x108;
	_ =	swait.ge @!p0 [sflag:s8], $0x0  }
0x24: {  	s3 =	sadd.s32 $0x88, s3;
	s6 =	simm.s32 @!p1 $0x1082;
	[sflag:s4] =	ssyncset.s32 $0xFFFFF086  }
0x25: {  	[simem:s6], [sflag:s4] =	dma.local [hbm:s3], $0xF7A  }
0x26: {  	[smem:$0x3F9E] =	sst s1;
	(tag) =	ssettag s2;
	_ =	strace s9  }
0x27: {  	s1 =	sld [smem:$0x3FAE]  }
0x28: {  	s2 =	sld [smem:$0x3FAF]  }
0x29: {  	s4 =	sld [smem:$0x3FB1]  }
0x2a: {  	p0 =	seq.s32 s5, $0x0;
	s5 =	sld [smem:$0x3FB2]  }
0x2b: {  	s6 =	sld [smem:$0x3FB3]  }
0x2c: {  	s7 =	sld [smem:$0x3FB4]  }
0x2d: {  	s3 =	simm.s32 $0x108;
	s8 =	sld [smem:$0x3FB5]  }
0x2e: {  	s3 =	simm.s32 @!p0 $0x1082;
	s9 =	sld [smem:$0x3FB6]  }
0x2f: {  	lr =	sadd.s32 s0, s3;
	s0 =	sld [smem:$0x3FAD]  }
0x30: {  	s3 =	sld [smem:$0x3FB0]  }
0x31: {  	[smem:$0x3FB9] =	sst s10  }
0x32: {  	s10 =	sld [smem:$0x3FB7];
	_ =	sdelay $0x3  }
0x33: {  	p0 =	seq.s32 s10, $0x1;
	s10 =	sld [smem:$0x3FB9];
	_ =	sdelay $0x3  }
0x34: {  	[smem:$0x3FB9] =	sst s10  }
0x35: {  	s10 =	sld [smem:$0x3FB8];
	_ =	sdelay $0x3  }
0x36: {  	p1 =	seq.s32 s10, $0x1;
	s10 =	sld [smem:$0x3FB9];
	_ =	sdelay $0x3  }
0x37: {  	[smem:$0x3FB9] =	sst s10  }
0x38: {  	s10 =	sld [smem:$0x3FBA]  }
0x39: {  	_ = 	snop;
	(pc) =	sbr.ind lr, $3  }
0x3a: {  	_ = 	snop  }
0x3b: {  	_ = 	snop  }
0x3c: {  	p2 =	seq.s32 s10, $0x1;
	s10 =	sld [smem:$0x3FB9]  }
0x3d: {  	_ =	shalt  }
0x3e: {  	_ =	shalt  }
0x3f: {  	_ =	shalt  }
0x40: {  	_ =	shalt  }
0x41: {  	_ =	shalt  }
0x42: {  	_ =	shalt  }
0x43: {  	_ =	shalt  }
0x44: {  	_ =	shalt  }
0x45: {  	_ =	shalt  }
0x46: {  	_ =	shalt  }
0x47: {  	_ =	shalt  }
0x48: {  	_ =	shalt  }
0x49: {  	_ =	shalt  }
0x4a: {  	_ =	shalt  }
0x4b: {  	_ =	shalt  }
0x4c: {  	_ =	shalt  }
0x4d: {  	_ =	shalt  }
0x4e: {  	_ =	shalt  }
0x4f: {  	_ =	shalt  }
0x50: {  	_ =	shalt  }
0x51: {  	_ =	shalt  }
0x52: {  	_ =	shalt  }
0x53: {  	_ =	shalt  }
0x54: {  	_ =	shalt  }
0x55: {  	_ =	shalt  }
0x56: {  	_ =	shalt  }
0x57: {  	_ =	shalt  }
0x58: {  	_ =	shalt  }
0x59: {  	_ =	shalt  }
0x5a: {  	_ =	shalt  }
0x5b: {  	_ =	shalt  }
0x5c: {  	_ =	shalt  }
0x5d: {  	_ =	shalt  }
0x5e: {  	_ =	shalt  }
0x5f: {  	_ =	shalt  }
0x60: {  	_ =	shalt  }
0x61: {  	_ =	shalt  }
0x62: {  	_ =	shalt  }
0x63: {  	_ =	shalt  }
0x64: {  	_ =	shalt  }
0x65: {  	_ =	shalt  }
0x66: {  	_ =	shalt  }
0x67: {  	_ =	shalt  }
0x68: {  	_ =	shalt  }
0x69: {  	_ =	shalt  }
0x6a: {  	_ =	shalt  }
0x6b: {  	_ =	shalt  }
0x6c: {  	_ =	shalt  }
0x6d: {  	_ =	shalt  }
0x6e: {  	_ =	shalt  }
0x6f: {  	_ =	shalt  }
0x70: {  	_ =	shalt  }
0x71: {  	_ =	shalt  }
0x72: {  	_ =	shalt  }
0x73: {  	_ =	shalt  }
0x74: {  	_ =	shalt  }
0x75: {  	_ =	shalt  }
0x76: {  	_ =	shalt  }
0x77: {  	_ =	shalt  }
0x78: {  	_ =	shalt  }
0x79: {  	_ =	shalt  }
0x7a: {  	_ =	shalt  }
0x7b: {  	_ =	shalt  }
0x7c: {  	_ =	shalt  }
0x7d: {  	_ =	shalt  }
0x7e: {  	_ =	shalt  }
0x7f: {  	_ =	shalt  }
0x80: {  	_ =	shalt  }
0x81: {  	_ =	shalt  }
0x82: {  	_ =	shalt  }
0x83: {  	_ =	shalt  }
0x84: {  	_ =	shalt  }
0x85: {  	_ =	shalt  }
0x86: {  	_ =	shalt  }
0x87: {  	_ =	shalt  }
.Lfunc_end0:
.L_simem_size_0:
called_computation_lowered:
.L_overlay_start_0:
0x88: {  	s2 =	sld [smem:$0x3FD9]  }
0x89: {  	s3 =	sld [smem:$0x3FFE];
	_ =	sdelay $0x1  }
0x8a: {  	s1 =	srdreg.scid  }
0x8b: {  	s0 =	sand.u32 $0x1, s1  }
0x8c: {  	s14 =	sshll.u32 s0, $0xA;
	s2 =	sadd.s32 s3, s2  }
0x8d: {  	s2 =	sadd.s32 s2, s14  }
0x8e: {  	[smem:$0x3FC5] =	sst s2  }
0x8f: {  	_ = 	snop  }
0x90: {  	s2 =	sld [smem:$0x3FD0]  }
0x91: {  	s15 =	sld [smem:$0x3FC9]  }
0x92: {  	s4 =	sld [smem:$0x3FC8]  }
0x93: {  	s6 =	simm.s32 $0xA;
	s7 =	simm.s32 $0x10;
	s5 =	sld [smem:$0x3FC7]  }
0x94: {  	[smem:s7], [sflag:s6] =	dma.local [hbm:s2], $0x1  }
0x95: {  	_ =	swait.eq [sflag:s6], $0x1  }
0x96: {  	[sflag:s6] =	ssyncset.done $0x0  }
0x97: {  	s16 =	sld [smem:$0x10];
	[sflag:s6] =	ssyncadd.s32 $0xFFFFFFFF  }
0x98: {  	s17 =	sld [smem:$0x11];
	(tm) =	ssettm $0x1  }
0x99: {  	s18 =	sld [smem:$0x3FFB];
	_ =	sdelay $0x3  }
0x9a: {  	_ =	strace s18  }
0x9b: {  	s7 =	sld [smem:$0x3FFC];
	_ =	sdelay $0x3  }
0x9c: {  	_ =	strace s7  }
0x9d: {  	s7 =	sld [smem:$0x3FFD];
	_ =	sdelay $0x3  }
0x9e: {  	_ =	strace s7  }
0x9f: {  	_ =	strace $0x8FFFFFFF  }
0xa0: {  	s19 =	sld [smem:$0x3FDB];
	_ =	sdelay $0x1  }
0xa1: {  	s8 =	simm.s32 $_scs_section_size  }
0xa2: {  	s9 =	simm.s32 $_size__tile_overlayer_lowered;
	s10 =	simm.s32 $_tile_overlayer_lowered  }
0xa3: {  	s22 =	simm.s32 $0x1BFF;
	s21 =	sshll.u32 s10, $0x1;
	s7 =	sadd.s32 s8, s19  }
0xa4: {  	s11 =	simm.s32 $0x0;
	s20 =	sshll.u32 s9, $0x1;
	s9 =	sadd.s32 s21, s7  }
0xa5: {  	[timem:s11], [sflag:s22] =	dma.local [hbm:s9], s20  }
0xa6: {  	_ =	swait.ge [sflag:s22], s20  }
0xa7: {  	s8 =	ssub.s32 $0x0, s20;
	[sflag:s22] =	ssyncset.done $0x0  }
0xa8: {  	[sflag:s22] =	ssyncadd.s32 s8;
	_ =	sdelay $0x1  }
0xa9: {  	s23 =	simm.s32 $0x1B8B  }
0xaa: {  	_ =	swait.ge [sflag:s23], $0x1  }
0xab: {  	[sflag:s23] =	ssyncset.done $0x0  }
0xac: {  	s25 =	simm.s32 $0x1B8E;
	s24 =	sld [smem:$0x3FFE];
	[sflag:s23] =	ssyncadd.s32 $0xFFFFFFFF  }
0xad: {  	s26 =	simm.s32 $execute0_lowered;
	[smem:$0x3FD2] =	sst s25  }
0xae: {  	s9 =	sshll.u32 s26, $0x1;
	_ =	strace $0x80000046;
	[dreg:$0x1] =	wrdreg $0xFFFFFFFF  }
0xaf: {  	s28 =	simm.s32 $_size_execute0_lowered;
	s7 =	sadd.s32 s7, s9;
	[dreg:$0x0] =	wrdreg $0x0  }
0xb0: {  	s9 =	sshll.u32 s28, $0x1;
	[dreg:$0x2] =	wrdreg s7  }
0xb1: {  	[dreg:$0x3] =	wrdreg s9  }
0xb2: {  	[dreg:$0x4] =	wrdreg $0xC0  }
0xb3: {  	_ =	task [dreg:s11], $0x5FFFF  }
0xb4: {  	[dreg:$0x1] =	wrdreg $0xFFFFFFFF  }
0xb5: {  	[dreg:$0x0] =	wrdreg $0x60  }
0xb6: {  	[dreg:$0x2] =	wrdreg s15  }
0xb7: {  	[dreg:$0x3] =	wrdreg s4  }
0xb8: {  	[dreg:$0x4] =	wrdreg s5  }
0xb9: {  	[dreg:$0x5] =	wrdreg s24  }
0xba: {  	[dreg:$0x6] =	wrdreg s16  }
0xbb: {  	[dreg:$0x7] =	wrdreg s17  }
0xbc: {  	[dreg:$0x8] =	wrdreg $0x92000  }
0xbd: {  	[dreg:$0x9] =	wrdreg $0xB6000  }
0xbe: {  	[dreg:$0xa] =	wrdreg $0x9  }
0xbf: {  	_ =	task.clear_ibuf [dreg:s11], $0xBFFFF;
	_ =	strace $0x90000046  }
0xc0: {  	s29 =	simm.s32 $0x9;
	_ =	strace $0x80000048  }
0xc1: {  	_ =	swait.ge [sflag:s29], $0x1  }
0xc2: {  	[sflag:s29] =	ssyncadd.s32 $0xFFFFFFFF  }
0xc3: {  	_ =	strace $0x90000048  }
0xc4: {  	_ =	sfence  }
0xc5: {  	s30 =	sld [smem:$0x0];
	_ =	sdelay $0x2  }
0xc6: {  	s31 =	sshll.u32 s1, $0xD;
	s1 =	sshrl.u32 s1, $0x2  }
0xc7: {  	s3 =	sand.u32 $0x4000, s31;
	s1 =	sadd.s32 s1, s30  }
0xc8: {  	s0 =	sor.u32 s3, s0;
	s1 =	sshll.u32 s1, $0x11  }
0xc9: {  	s0 =	sor.u32 s1, s0  }
0xca: {  	s0 =	sadd.s32 $0x8F2B, s0  }
0xcb: {  	[sflag:s0] =	ssyncadd.remote.s32 $0x1  }
0xcc: {  	_ =	sfence.sel $0xFFFF  }
0xcd: {  	[dreg:$0x0] =	wrdreg $0xFFFFFFFF;
	(pc) =	sbr.abs _section_cstart, $3  }
0xce: {  	[dreg:$0x1] =	wrdreg $0xFFFFFFFF  }
0xcf: {  	_ =	task.clear_ibuf [dreg:s11], $0x2FFFF;
	_ =	strace $0x9FFFFFFF  }
0xd0: {  	(tm) =	ssettm $0x7FFFFFFF  }
0xd1: {  	_ =	shalt  }
tec
execute0_lowered:
.L_overlay_start_1:
0x0: {  	(tag) =	ssettag $0x1  }
0x1: {  	s0 =	rddreg [dreg:$0x0]  }
0x2: {  	s4 =	rddreg [dreg:$0x1]  }
0x3: {  	s5 =	rddreg [dreg:$0x2]  }
0x4: {  	s6 =	rddreg [dreg:$0x3]  }
0x5: {  	s8 =	rddreg [dreg:$0x4]  }
0x6: {  	s10 =	rddreg [dreg:$0x5]  }
0x7: {  	s1 =	rddreg [dreg:$0x6]  }
0x8: {  	s2 =	rddreg [dreg:$0x7];
	s3 =	simm.s32 $0x0  }
0x9: {  	s11 =	stileid.u32;
	s7 =	srdreg.scid;
	s28 =	simm.s32 $0x50  }
0xa: {  	s29 =	simm.s32 $0x6980;
	s30 =	simm.s32 $0x2800;
	s31 =	simm.s32 $0x3  }
0xb: {  	[smem:$0x7FF] =	sst s3;
	s15 =	smul.u32 $0x2400, s11;
	s12 =	sand.u32 $0x1, s7  }
0xc: {  	s20 =	sshll.u32 s11, $0x1;
	s22 =	sshll.u32 s11, $0x6;
	p0 =	seq.s32 s11, $0x0  }
0xd: {  	_ =	strace $0x80000047;
	s13 =	ssub.s32 $0x2, s12;
	s7 =	sor.u32 s12, s20  }
0xe: {  	s26 =	smul.u32 $0x24000, s12;
	s9 =	sshrl.u32 s15, $0x3;
	s14 =	sshrl.u32 s13, $0x1  }
0xf: {  	s16 =	smul.u32 $0x27, s7;
	s21 =	sadd.s32 s15, s1;
	s24 =	sadd.s32 s15, s2  }
0x10: {  	s9 =	sadd.s32 s9, s6;
	s6 =	sadd.s32 $0x600, s6;
	s18 =	ssub.s32 s13, s14  }
0x11: {  	s14 =	smin.u32 s7, $0x2;
	[dreg:$0xa] =	wrdreg s21;
	s21 =	smul.u32 $0x4E, s11  }
0x12: {  	s7 =	sor.u32 $0x1C07, s22;
	s22 =	smul.u32 $0x27, s12;
	s23 =	sadd.s32 s14, s16  }
0x13: {  	[dreg:$0xb] =	wrdreg s24;
	s26 =	sadd.s32 s15, s26;
	s16 =	smul.u32 $0x50, s23  }
0x14: {  	[dreg:$0x9] =	wrdreg s6;
	s6 =	sadd.s32 $0xC00, s9;
	s9 =	simm.s32 $0x28  }
0x15: {  	s18 =	smax.u32 s18, $0x1;
	s17 =	smul.u32 $0x500, s23;
	s25 =	sshrl.u32 s16, $0x3  }
0x16: {  	s9 =	simm.s32 @!p0 $0x27;
	s24 =	sadd.s32 s21, s14;
	s19 =	sadd.s32 s4, s25  }
0x17: {  	s15 =	sadd.s32 $0xFFFFFFFF, s9;
	s20 =	sadd.s32 s5, s25;
	[dreg:$0xc] =	wrdreg s19  }
0x18: {  	s13 =	sadd.s32 $0x186, s25;
	s25 =	sadd.s32 s0, s17;
	[dreg:$0xd] =	wrdreg s20  }
0x19: {  	s4 =	sadd.s32 s4, s13;
	s23 =	sadd.s32 s5, s13;
	[dreg:$0x10] =	wrdreg s25  }
0x1a: {  	s5 =	sshrl.u32 s26, $0x3;
	s19 =	simm.s32 $0x4;
	[dreg:$0xe] =	wrdreg s4  }
0x1b: {  	s20 =	simm.s32 $0x6;
	s26 =	simm.s32 $0x2;
	[dreg:$0xf] =	wrdreg s23  }
.Ltmp0:
0x1c: {  	s4 =	sadd.s32 s22, s24;
	s8 =	sadd.s32 s8, s5;
	(pc) =	sbr.rel .LBB2_1-.Ltmp0, $4  }
0x1d: {  	s17 =	sadd.s32 s10, s5;
	s19 =	simm.s32 @!p0 $0x3;
	s4 =	smul.u32 $0x500, s4  }
0x1e: {  	s20 =	simm.s32 @!p0 $0x5;
	p0 =	sne.s32 s11, $0x0;
	s22 =	simm.s32 $0x7  }
0x1f: {  	s23 =	simm.s32 $0x6A00;
	s24 =	simm.s32 $0x0;
	s0 =	sadd.s32 s4, s0  }
0x20: {  	v0 =	vimm.s32 $0x0;
	[dreg:$0x11] =	wrdreg s8;
	s10 =	sadd.s32 $0x500, s0;
	s0 =	simm.s32 $0x5  }
.LBB2_5:
0x21: {  	_ =	swait.ge [sflag:s19], $0x2800  }
0x22: {  	[sflag:s19] =	ssyncset.done $0x0  }
0x23: {  	[sflag:s19] =	ssyncadd.s32 $0xFFFFD800  }
0x24: {  	_ =	swait.ge [sflag:s20], $0x2800  }
0x25: {  	[sflag:s20] =	ssyncset.done $0x0  }
0x26: {  	[sflag:s20] =	ssyncadd.s32 $0xFFFFD800  }
0x27: {  	[bflag:$0x0] =	sbarrier.arrive $0xFFFF  }
0x28: {  	s5 =	rddreg [dreg:$0x11]  }
0x29: {  	[hbm:s5], [sflag:s7] =	dma.local [spmem:s25], $0x480  }
0x2a: {  	s24 =	sadd.s32 $0x1, s24;
	_ =	swait.ge [sflag:s22], $0x480  }
0x2b: {  	p1 =	sne.s32 s24, s18;
	[sflag:s22] =	ssyncset.done $0x0  }
.Ltmp1:
0x2c: {  	[sflag:s22] =	ssyncadd.s32 $0xFFFFFB80;
	(pc) =	sbr.rel @!p1 .LBB2_6-.Ltmp1, $4  }
0x2d: {  	[hbm:s17], [sflag:s7] =	dma.local [spmem:s4], $0x480  }
0x2e: {  	_ =	swait.ge [sflag:s22], $0x480  }
0x2f: {  	[sflag:s22] =	ssyncset.done $0x0  }
0x30: {  	[sflag:s22] =	ssyncadd.s32 $0xFFFFFB80  }
.LBB2_1:
0x31: {  	s4 =	rddreg [dreg:$0xa]  }
0x32: {  	s25 =	sshrl.u32 s4, $0x3  }
0x33: {  	[spmem:s25], [sflag:s7] =	dma.local [hbm:s6], $0x480  }
0x34: {  	_ =	swait.ge [sflag:s22], $0x480  }
0x35: {  	[sflag:s22] =	ssyncset.done $0x0;
	s12 =	rddreg [dreg:$0xb]  }
0x36: {  	[sflag:s22] =	ssyncadd.s32 $0xFFFFFB80;
	s4 =	sshrl.u32 s12, $0x3  }
0x37: {  	[spmem:s4], [sflag:s7] =	dma.local [hbm:s6], $0x480  }
0x38: {  	_ =	swait.ge [sflag:s22], $0x480  }
0x39: {  	[sflag:s22] =	ssyncset.done $0x0  }
0x3a: {  	s5 =	rddreg [dreg:$0x9];
	[sflag:s22] =	ssyncadd.s32 $0xFFFFFB80  }
0x3b: {  	[tilespmem:s23], [sflag:$0x7] =	stream.linear.gather [hbm4b:s5+s3], $0x2800, $0x38;
	[tilespmem:$0xDA00] =	vst v63  }
0x3c: {  	_ =	swait.ge [sflag:s22], $0x2800  }
0x3d: {  	[sflag:s22] =	ssyncset.done $0x0  }
0x3e: {  	[sflag:s22] =	ssyncadd.s32 $0xFFFFD800  }
0x3f: {  	[bflag:$0x0] =	sbarrier.arrive $0xFFFF  }
0x40: {  	s8 =	simm.s32 $0x5000;
	s13 =	rddreg [dreg:$0xc]  }
0x41: {  	[tilespmem:s8], [sflag:$0x7] =	stream.linear.gather [hbm4b:s13+s3], $0xC30, $0x38;
	[tilespmem:$0xDA00] =	vst v63  }
0x42: {  	_ =	swait.ge [sflag:s22], $0xC30  }
0x43: {  	[sflag:s22] =	ssyncset.done $0x0  }
0x44: {  	s16 =	simm.s32 $0x5C80;
	s14 =	rddreg [dreg:$0xd];
	[sflag:s22] =	ssyncadd.s32 $0xFFFFF3D0  }
0x45: {  	[tilespmem:s16], [sflag:$0x7] =	stream.linear.gather [hbm4b:s14+s3], $0xC30, $0x38;
	[tilespmem:$0xDA00] =	vst v63  }
0x46: {  	_ =	swait.ge [sflag:s22], $0xC30  }
0x47: {  	s5 =	simm.s32 @!p0 $0x0;
	[sflag:s22] =	ssyncset.done $0x0  }
0x48: {  	s8 =	simm.s32 @!p0 $0x5C30;
	s11 =	rddreg [dreg:$0xe];
	[sflag:s22] =	ssyncadd.s32 $0xFFFFF3D0  }
0x49: {  	[tilespmem:s8], [sflag:$0x7] =	stream.linear.gather @!p0 [hbm4b:s11+s5], $0x50, $0x38;
	[tilespmem:$0xDA00] =	vst v63  }
0x4a: {  	s8 =	simm.s32 @!p0 $0x7  }
0x4b: {  	_ =	swait.ge @!p0 [sflag:s8], $0x50  }
0x4c: {  	[sflag:s8] =	ssyncset.done @!p0 $0x0  }
0x4d: {  	s11 =	simm.s32 @!p0 $0x68B0;
	s12 =	rddreg [dreg:$0xf];
	[sflag:s8] =	ssyncadd.s32 @!p0 $0xFFFFFFB0  }
0x4e: {  	[tilespmem:s11], [sflag:$0x7] =	stream.linear.gather @!p0 [hbm4b:s12+s5], $0x50, $0x38;
	[tilespmem:$0xDA00] =	vst v63  }
.Ltmp2:
0x4f: {  	_ =	swait.ge @!p0 [sflag:s8], $0x50;
	(pc) =	sbr.rel .LBB2_2-.Ltmp2, $4  }
0x50: {  	[sflag:s8] =	ssyncset.done @!p0 $0x0  }
0x51: {  	s5 =	simm.s32 $0x5CA0;
	s21 =	rddreg [dreg:$0x10];
	[sflag:s8] =	ssyncadd.s32 @!p0 $0xFFFFFFB0  }
0x52: {  	[tilespmem:s3], [sflag:$0x1] =	stream.linear.gather [hbm4b:s21+s3], $0x2800, $0x38;
	[tilespmem:$0xDA00] =	vst v63  }
0x53: {  	s11 =	simm.s32 $0x0;
	s8 =	simm.s32 $0x5020;
	s21 =	smov.u32 s10  }
.LBB2_4:
0x54: {  	s11 =	sadd.s32 $0x1, s11  }
0x55: {  	p1 =	sne.s32 s9, s11  }
.Ltmp3:
0x56: {  	_ = 	snop;
	(pc) =	sbr.rel @!p1 .LBB2_5-.Ltmp3, $2  }
0x57: {  	_ =	sdelay $0x2  }
0x58: {  	s5 =	sadd.s32 $0x50, s5;
	s21 =	sadd.s32 $0x500, s21;
	s8 =	sadd.s32 $0x50, s8  }
.LBB2_2:
0x59: {  	s12 =	sand.u32 $0x1, s11  }
0x5a: {  	p1 =	seq.s32 s12, $0x1  }
0x5b: {  	s13 =	simm.s32 @!p1 $0x1  }
0x5c: {  	_ =	swait.ge @!p1 [sflag:s13], $0x2800  }
0x5d: {  	[sflag:s13] =	ssyncset.done @!p1 $0x0  }
0x5e: {  	[sflag:s13] =	ssyncadd.s32 @!p1 $0xFFFFD800  }
0x5f: {  	v1 =	vld @!p1 [tilespmem:s8+$0xFFFFFFE0];
	_ =	sdelay $0x1  }
0x60: {  	v2 =	vld @!p1 [tilespmem:s5+$0xFFFFFFE0];
	_ =	sdelay $0x2  }
0x61: {  	vm0 =	veq.s32 @!p1 v1, $0x64;
	v1 =	vimm.s32 @!p1 $0x0  }
0x62: {  	v3 =	vsel @!p1 vm0, $0x200, v1  }
0x63: {  	v2 =	vadd.s32 @!p1 v2, v3  }
0x64: {  	[tilespmem:$0x6900] =	vst @!p1 v2  }
0x65: {  	v2 =	vld @!p1 [tilespmem:s8+$0xFFFFFFF0];
	_ =	sdelay $0x1  }
0x66: {  	v3 =	vld @!p1 [tilespmem:s5+$0xFFFFFFF0];
	_ =	sdelay $0x2  }
0x67: {  	vm0 =	veq.s32 @!p1 v2, $0x64  }
0x68: {  	v2 =	vsel @!p1 vm0, $0x200, v1  }
0x69: {  	v2 =	vadd.s32 @!p1 v3, v2  }
0x6a: {  	[tilespmem:$0x6910] =	vst @!p1 v2  }
0x6b: {  	v2 =	vld @!p1 [tilespmem:s8+$0x0];
	_ =	sdelay $0x1  }
0x6c: {  	v3 =	vld @!p1 [tilespmem:s5+$0x0];
	_ =	sdelay $0x2  }
0x6d: {  	vm0 =	veq.s32 @!p1 v2, $0x64  }
0x6e: {  	v2 =	vsel @!p1 vm0, $0x200, v1  }
0x6f: {  	v2 =	vadd.s32 @!p1 v3, v2  }
0x70: {  	[tilespmem:$0x6920] =	vst @!p1 v2  }
0x71: {  	v2 =	vld @!p1 [tilespmem:s8+$0x10];
	_ =	sdelay $0x1  }
0x72: {  	v3 =	vld @!p1 [tilespmem:s5+$0x10];
	_ =	sdelay $0x2  }
0x73: {  	vm0 =	veq.s32 @!p1 v2, $0x64  }
0x74: {  	v2 =	vsel @!p1 vm0, $0x200, v1  }
0x75: {  	v2 =	vadd.s32 @!p1 v3, v2  }
0x76: {  	[tilespmem:$0x6930] =	vst @!p1 v2  }
0x77: {  	v2 =	vld @!p1 [tilespmem:s8+$0x20];
	_ =	sdelay $0x1  }
0x78: {  	v3 =	vld @!p1 [tilespmem:s5+$0x20];
	_ =	sdelay $0x2  }
0x79: {  	vm0 =	veq.s32 @!p1 v2, $0x64  }
0x7a: {  	v1 =	vsel @!p1 vm0, $0x200, v1  }
0x7b: {  	s14 =	simm.s32 @!p1 $0x6900;
	v1 =	vadd.s32 @!p1 v3, v1  }
0x7c: {  	s16 =	simm.s32 @!p1 $0x0;
	p2 =	seq.s32 @!p1 s11, $0x0;
	s13 =	simm.s32 @!p1 $0x50;
	[tilespmem:$0x6940] =	vst @!p1 v1  }
0x7d: {  	[spmem:s1] =	stream.indirect.scatter.add.f32 @!p1 [tilespmem:s16], [sflag:$0x3], $0x80, s14, s13, $0xb8;
	[tilespmem:$0xDA00] =	vst v63  }
0x7e: {  	p2 =	por p2, p1;
	s16 =	simm.s32 @!p1 $0x6A00  }
0x7f: {  	[spmem:s2] =	stream.indirect.scatter.add.f32 @!p1 [tilespmem:s16], [sflag:$0x5], $0x80, s14, s13, $0xb8;
	[tilespmem:$0xDA00] =	vst v63  }
0x80: {  	s13 =	simm.s32 @!p2 $0x4  }
0x81: {  	_ =	swait.ge @!p2 [sflag:s13], $0x2800  }
0x82: {  	[sflag:s13] =	ssyncset.done @!p2 $0x0  }
0x83: {  	[sflag:s13] =	ssyncadd.s32 @!p2 $0xFFFFD800;
	s13 =	simm.s32 @!p2 $0x6  }
0x84: {  	_ =	swait.ge @!p2 [sflag:s13], $0x2800  }
0x85: {  	[sflag:s13] =	ssyncset.done @!p2 $0x0  }
0x86: {  	p3 =	sge.u32 @!p1 s11, s15;
	[sflag:s13] =	ssyncadd.s32 @!p2 $0xFFFFD800;
	p2 =	seq.s32 @!p1 s12, $0x0  }
0x87: {  	p3 =	por p3, p1;
	p1 =	por p1, !p2  }
.Ltmp4:
0x88: {  	_ = 	snop;
	(pc) =	sbr.rel @!p1 .LBB2_4-.Ltmp4, $3  }
0x89: {  	_ =	sdelay $0x1  }
0x8a: {  	s14 =	simm.s32 @!p3 $0x2800;
	s13 =	simm.s32 @!p3 $0x0  }
0x8b: {  	[tilespmem:s14], [sflag:$0x2] =	stream.linear.gather @!p3 [hbm4b:s21+s13], $0x2800, $0x38;
	[tilespmem:$0xDA00] =	vst v63  }
0x8c: {  	_ =	swait.ge [sflag:s26], $0x2800  }
0x8d: {  	[sflag:s26] =	ssyncset.done $0x0  }
0x8e: {  	[sflag:s26] =	ssyncadd.s32 $0xFFFFD800  }
0x8f: {  	v1 =	vld [tilespmem:s8+$0xFFFFFFE0];
	_ =	sdelay $0x1  }
0x90: {  	v2 =	vld [tilespmem:s5+$0xFFFFFFE0];
	_ =	sdelay $0x2  }
0x91: {  	vm0 =	veq.s32 v1, $0x64  }
0x92: {  	v1 =	vsel vm0, $0x200, v0  }
0x93: {  	v1 =	vadd.s32 v2, v1  }
0x94: {  	[tilespmem:$0x6980] =	vst v1  }
0x95: {  	v1 =	vld [tilespmem:s8+$0xFFFFFFF0];
	_ =	sdelay $0x1  }
0x96: {  	v2 =	vld [tilespmem:s5+$0xFFFFFFF0];
	_ =	sdelay $0x2  }
0x97: {  	vm12 =	veq.s32 v1, $0x64  }
0x98: {  	v1 =	vsel vm12, $0x200, v0  }
0x99: {  	v1 =	vadd.s32 v2, v1  }
0x9a: {  	[tilespmem:$0x6990] =	vst v1  }
0x9b: {  	v1 =	vld [tilespmem:s8+$0x0];
	_ =	sdelay $0x1  }
0x9c: {  	v2 =	vld [tilespmem:s5+$0x0];
	_ =	sdelay $0x2  }
0x9d: {  	vm13 =	veq.s32 v1, $0x64  }
0x9e: {  	v1 =	vsel vm13, $0x200, v0  }
0x9f: {  	v1 =	vadd.s32 v2, v1  }
0xa0: {  	[tilespmem:$0x69A0] =	vst v1  }
0xa1: {  	v1 =	vld [tilespmem:s8+$0x10];
	_ =	sdelay $0x1  }
0xa2: {  	v2 =	vld [tilespmem:s5+$0x10];
	_ =	sdelay $0x2  }
0xa3: {  	vm14 =	veq.s32 v1, $0x64  }
0xa4: {  	v1 =	vsel vm14, $0x200, v0  }
0xa5: {  	v1 =	vadd.s32 v2, v1  }
0xa6: {  	[tilespmem:$0x69B0] =	vst v1  }
0xa7: {  	v1 =	vld [tilespmem:s8+$0x20];
	_ =	sdelay $0x1  }
0xa8: {  	v2 =	vld [tilespmem:s5+$0x20];
	_ =	sdelay $0x2  }
0xa9: {  	vm15 =	veq.s32 v1, $0x64  }
0xaa: {  	v1 =	vsel vm15, $0x200, v0  }
0xab: {  	v1 =	vadd.s32 v2, v1  }
0xac: {  	[tilespmem:$0x69C0] =	vst v1  }
0xad: {  	[spmem:s1] =	stream.indirect.scatter.add.f32 [tilespmem:s30], [sflag:$0x4], $0x80, s29, s28, $0xb8;
	[tilespmem:$0xDA00] =	vst v63  }
0xae: {  	_ = 	snop  }
0xaf: {  	[spmem:s2] =	stream.indirect.scatter.add.f32 [tilespmem:s23], [sflag:$0x6], $0x80, s29, s28, $0xb8;
	[tilespmem:$0xDA00] =	vst v63  }
0xb0: {  	_ =	swait.ge [sflag:s31], $0x2800  }
0xb1: {  	[sflag:s31] =	ssyncset.done $0x0  }
.Ltmp5:
0xb2: {  	[sflag:s31] =	ssyncadd.s32 $0xFFFFD800;
	(pc) =	sbr.rel .LBB2_4-.Ltmp5, $4  }
0xb3: {  	_ =	swait.ge [sflag:s0], $0x2800  }
0xb4: {  	p1 =	sge.u32 s11, s15;
	[sflag:s0] =	ssyncset.done $0x0  }
0xb5: {  	s12 =	simm.s32 @!p1 $0x0;
	[sflag:s0] =	ssyncadd.s32 $0xFFFFD800  }
0xb6: {  	[tilespmem:s12], [sflag:$0x1] =	stream.linear.gather @!p1 [hbm4b:s21+s12], $0x2800, $0x38;
	[tilespmem:$0xDA00] =	vst v63  }
.LBB2_6:
0xb7: {  	_ =	sfence.sel $0x180000  }
0xb8: {  	[bflag:$0x0] =	sbarrier.arrive $0xFFFF  }
0xb9: {  	_ =	strace $0x90000047  }
0xba: {  	[bflag:$0x2] =	sbarrier.arrive $0xFFFF  }
0xbb: {  	s0 =	rddreg [dreg:$0x8]  }
0xbc: {  	s0 =	sadd.s32 @!p0 $0x100000, s0  }
0xbd: {  	[sflag:s0] =	ssyncadd.tile.s32 @!p0 $0x1;
	_ =	shalt  }
.Lfunc_end2:
_tile_overlayer_lowered:
.L_overlay_start_2:
0xbe: {  	(tag) =	ssettag $0x2  }
0xbf: {  	s0 =	rddreg [dreg:$0x0];
	s2 =	stileid.u32  }
0xc0: {  	s1 =	rddreg [dreg:$0x1];
	p0 =	sne.s32 s2, $0x0  }
0xc1: {  	s3 =	rddreg [dreg:$0x2];
	[bflag:$0x3] =	sbarrier.arrive $0xFFFF;
	s2 =	simm.s32 @!p0 $0x1C07  }
0xc2: {  	[timem:s3], [sflag:s2] =	dma.local @!p0 [hbm:s0], s1  }
0xc3: {  	s0 =	simm.s32 @!p0 $0x7  }
0xc4: {  	_ =	swait.ge @!p0 [sflag:s0], s1  }
0xc5: {  	s1 =	ssub.s32 @!p0 $0x0, s1;
	[sflag:s0] =	ssyncset.done @!p0 $0x0  }
0xc6: {  	[sflag:s0] =	ssyncadd.s32 @!p0 s1  }
0xc7: {  	[bflag:$0x3] =	sbarrier.arrive $0xFFFF  }
0xc8: {  	_ =	shalt  }

</sc_bundles>
